<compile_context>
chip_gen: v7x
topology: tpu7x:2x2x1
jax: 0.10.2.dev20260603
libtpu: 0.0.44.dev20260713+nightly
codegen_flags: <defaults>
</compile_context>

<pallas_src>
import functools

import jax
import jax.numpy as jnp
from jax import lax
from jax.experimental import pallas as pl
from jax.experimental.pallas import tpu as pltpu
from jax.experimental.pallas import tpu_sc as plsc

_B = 1024
_T = 200
_D = 64
_CHUNK = 100
_NCHUNKS = _B * _T // _CHUNK
_SEQ_CHUNKS = _T // _CHUNK


def _make_sc_kernel():
    info = plsc.get_sparse_core_info()
    nc, ns = info.num_cores, info.num_subcores
    nw = nc * ns
    cpw = _NCHUNKS // nw

    mesh = plsc.VectorSubcoreMesh(core_axis_name="c", subcore_axis_name="s")

    @functools.partial(
        pl.kernel,
        mesh=mesh,
        out_type=jax.ShapeDtypeStruct((_NCHUNKS, _CHUNK, _D), jnp.float32),
        scratch_types=[
            pltpu.VMEM((cpw, _CHUNK), jnp.int32),
            pltpu.VMEM((_T, _D), jnp.float32),
            pltpu.VMEM((_CHUNK, _D), jnp.float32),
            pltpu.VMEM((_CHUNK, _D), jnp.float32),
            pltpu.SemaphoreType.DMA,
            pltpu.SemaphoreType.DMA,
            pltpu.SemaphoreType.DMA,
            pltpu.SemaphoreType.DMA,
        ],
        compiler_params=pltpu.CompilerParams(use_tc_tiling_on_sc=False),
    )
    def k(idx_hbm, word_hbm, pos_hbm, out_hbm,
          idx_v, pos_v, b0, b1, gs0, gs1, ws0, ws1):
        bufs, gs, ws = (b0, b1), (gs0, gs1), (ws0, ws1)
        wid = lax.axis_index("s") * nc + lax.axis_index("c")
        base = wid * cpw
        pltpu.sync_copy(idx_hbm.at[pl.ds(base, cpw)], idx_v)
        pltpu.sync_copy(pos_hbm, pos_v)

        def gather(c, b):
            pltpu.async_copy(word_hbm.at[idx_v.at[c]], bufs[b], gs[b])

        def wait_gather(b):
            pltpu.make_async_copy(bufs[b], out_hbm.at[0], gs[b]).wait()

        def write(c, b):
            pltpu.async_copy(bufs[b], out_hbm.at[base + c], ws[b])

        def wait_write(b):
            pltpu.make_async_copy(bufs[b], out_hbm.at[0], ws[b]).wait()

        def add_pos(c, b):
            buf = bufs[b]
            t0 = lax.rem(base + c, _SEQ_CHUNKS) * _CHUNK

            def row(r, _):
                for d in range(_D // 16):
                    sl = pl.ds(d * 16, 16)
                    plsc.addupdate(buf.at[r, sl], pos_v[t0 + r, sl])
                return ()

            lax.fori_loop(0, _CHUNK, row, (), unroll=4)

        gather(0, 0)
        wait_gather(0)
        add_pos(0, 0)
        gather(1, 1)
        write(0, 0)

        @pl.loop(1, cpw - 1, step=2)
        def _pair(c0):
            for j in range(2):
                c = c0 + j
                b = (1 + j) % 2
                wait_gather(b)
                add_pos(c, b)
                wait_write(1 - b)
                gather(c + 1, 1 - b)
                write(c, b)

        wait_gather(1)
        add_pos(cpw - 1, 1)
        write(cpw - 1, 1)
        wait_write(0)
        wait_write(1)

    return k


_sc_kernel = _make_sc_kernel()


@jax.jit
def kernel(x, word_table, pos_table):
    idx = x.reshape(_NCHUNKS, _CHUNK).astype(jnp.int32)
    out = _sc_kernel(idx, word_table, pos_table)
    return out.reshape(_B, _T, _D)

# --- scband reference (transcript-rebuilt; emitter-appended) ---
"""Pipeline reference for scband-pos-and-word-embedding-46016279609541 (READ-ONLY COPY).

The authoritative reference and input builder live on the scoring server;
editing this copy changes nothing except your own understanding.
"""

import jax, jax.numpy as jnp
import numpy as np

VOCAB_SIZE = 1000000
EMBD_DIM = 64
BLOCK_SIZE = 200
BATCH = 1024
SEQ = 200

def setup_inputs(seed: int = 0) -> dict:
    key = jax.random.key(seed)
    k1, k2, k3 = jax.random.split(key, 3)
    x = jax.random.randint(k1, (BATCH, SEQ), 0, VOCAB_SIZE, dtype=jnp.int64 if jax.config.jax_enable_x64 else jnp.int32)
    word_table = jax.random.normal(k2, (VOCAB_SIZE, EMBD_DIM), dtype=jnp.float32) * 0.02
    pos_table = jax.random.normal(k3, (BLOCK_SIZE, EMBD_DIM), dtype=jnp.float32) * 0.02
    return {"x": x, "word_table": word_table, "pos_table": pos_table}

def reference(x, word_table, pos_table):
    # word embedding lookup (gather)
    tok_emb = jnp.take(word_table, x, axis=0)  # [B, T, D]
    b, t = x.shape
    pos_ids = jnp.arange(0, t, dtype=x.dtype)
    pos_emb = jnp.take(pos_table, pos_ids, axis=0)  # [T, D]
    out = tok_emb + pos_emb[None, :, :]
    # dropout is identity in eval/reference mode
    return out

if __name__ == "__main__":
    import jax
    _d = setup_inputs()
    print(jax.jit(kernel)(*tuple(_d.values())))

</pallas_src>

<mosaic_0001>
#map = affine_map<(d0, d1) -> (0, 0)>
#map1 = affine_map<(d0, d1) -> (0, 0, 0)>
module attributes {stable_mosaic.version = 14 : i64} {
  func.func @k(%arg0: i32, %arg1: i32, %arg2: memref<2048x100xi32, #tpu.memory_space<hbm>>, %arg3: memref<1000000x64xf32, #tpu.memory_space<hbm>>, %arg4: memref<200x64xf32, #tpu.memory_space<hbm>>, %arg5: memref<2048x100x64xf32, #tpu.memory_space<hbm>>, %arg6: memref<64x100xi32, #tpu.memory_space<vmem>>, %arg7: memref<200x64xf32, #tpu.memory_space<vmem>>, %arg8: memref<100x64xf32, #tpu.memory_space<vmem>>, %arg9: memref<100x64xf32, #tpu.memory_space<vmem>>, %arg10: memref<!tpu.dma_semaphore, #tpu.memory_space<semaphore_mem>>, %arg11: memref<!tpu.dma_semaphore, #tpu.memory_space<semaphore_mem>>, %arg12: memref<!tpu.dma_semaphore, #tpu.memory_space<semaphore_mem>>, %arg13: memref<!tpu.dma_semaphore, #tpu.memory_space<semaphore_mem>>) attributes {dimension_semantics = [#tpu.dimension_semantics<core_parallel>, #tpu.dimension_semantics<subcore_parallel>], iteration_bounds = array<i64: 2, 16>, scalar_prefetch = 0 : i64, scratch_operands = 8 : i64, tpu.core_type = #tpu.core_type<sc_vector_subcore>, window_params = [{transform_indices = #map}, {transform_indices = #map}, {transform_indices = #map}, {transform_indices = #map1}]} {
    %mul3A = arith.constant 2 : i32
    %mul3A_0 = arith.muli %arg1, %mul3A : i32
    %add3A = arith.addi %mul3A_0, %arg0 : i32
    %mul3A_1 = arith.constant 64 : i32
    %mul3A_2 = arith.muli %add3A, %mul3A_1 : i32
    "tpu.region"() ({
      %run_scoped3A = tpu.sem_alloc : memref<!tpu.dma_semaphore, #tpu.memory_space<semaphore_mem>>
      %dma_start3A_96 = arith.constant 0 : i32
      %dma_start3A_97 = tpu.memref_slice %arg2[%mul3A_2, %dma_start3A_96] : memref<2048x100xi32, #tpu.memory_space<hbm>> -> memref<64x100xi32, #tpu.memory_space<hbm>>
      %dma_start3A_98 = arith.constant 0 : i32
      %dma_start3A_99 = tpu.memref_slice %arg2[%mul3A_2, %dma_start3A_98] : memref<2048x100xi32, #tpu.memory_space<hbm>> -> memref<64x100xi32, #tpu.memory_space<hbm>>
      tpu.enqueue_dma source(%dma_start3A_99 : memref<64x100xi32, #tpu.memory_space<hbm>>) target(%arg6 : memref<64x100xi32, #tpu.memory_space<vmem>>) target_semaphore(%run_scoped3A : memref<!tpu.dma_semaphore, #tpu.memory_space<semaphore_mem>>)
      %dma_wait3A_100 = arith.constant 0 : i32
      %dma_wait3A_101 = tpu.memref_slice %arg2[%mul3A_2, %dma_wait3A_100] : memref<2048x100xi32, #tpu.memory_space<hbm>> -> memref<64x100xi32, #tpu.memory_space<hbm>>
      %dma_wait3A_102 = arith.constant 0 : i32
      %dma_wait3A_103 = tpu.memref_slice %arg2[%mul3A_2, %dma_wait3A_102] : memref<2048x100xi32, #tpu.memory_space<hbm>> -> memref<64x100xi32, #tpu.memory_space<hbm>>
      tpu.wait_dma2 semaphore(%run_scoped3A : memref<!tpu.dma_semaphore, #tpu.memory_space<semaphore_mem>>) src(%dma_wait3A_103 : memref<64x100xi32, #tpu.memory_space<hbm>>) dst(%arg6 : memref<64x100xi32, #tpu.memory_space<vmem>>)
      tpu.yield
    }) : () -> ()
    "tpu.region"() ({
      %run_scoped3A = tpu.sem_alloc : memref<!tpu.dma_semaphore, #tpu.memory_space<semaphore_mem>>
      tpu.enqueue_dma source(%arg4 : memref<200x64xf32, #tpu.memory_space<hbm>>) target(%arg7 : memref<200x64xf32, #tpu.memory_space<vmem>>) target_semaphore(%run_scoped3A : memref<!tpu.dma_semaphore, #tpu.memory_space<semaphore_mem>>)
      tpu.wait_dma2 semaphore(%run_scoped3A : memref<!tpu.dma_semaphore, #tpu.memory_space<semaphore_mem>>) src(%arg4 : memref<200x64xf32, #tpu.memory_space<hbm>>) dst(%arg7 : memref<200x64xf32, #tpu.memory_space<vmem>>)
      tpu.yield
    }) : () -> ()
    %dma_start3A = arith.constant 0 : i32
    %dma_start3A_3 = arith.constant 0 : i32
    %dma_start3A_4 = tpu.memref_slice %arg6[%dma_start3A, %dma_start3A_3] : memref<64x100xi32, #tpu.memory_space<vmem>> -> memref<1x100xi32, #tpu.memory_space<vmem>>
    %dma_start3A_5 = tpu.memref_squeeze %dma_start3A_4 : memref<1x100xi32, #tpu.memory_space<vmem>> -> memref<100xi32, #tpu.memory_space<vmem>>
    %dma_start3A_6 = arith.constant 0 : i32
    %dma_start3A_7 = arith.constant 0 : i32
    %dma_start3A_8 = tpu.memref_slice %arg3[%dma_start3A_6, %dma_start3A_7] : memref<1000000x64xf32, #tpu.memory_space<hbm>> -> memref<1000000x64xf32, #tpu.memory_space<hbm>>
    tpu.enqueue_indirect_dma source(%dma_start3A_8 : memref<1000000x64xf32, #tpu.memory_space<hbm>>) target(%arg8 : memref<100x64xf32, #tpu.memory_space<vmem>>) offsets(%dma_start3A_5 : memref<100xi32, #tpu.memory_space<vmem>>) semaphore(%arg10 : memref<!tpu.dma_semaphore, #tpu.memory_space<semaphore_mem>>)
    %dma_wait3A = arith.constant 0 : i32
    %dma_wait3A_9 = arith.constant 0 : i32
    %dma_wait3A_10 = arith.constant 0 : i32
    %dma_wait3A_11 = tpu.memref_slice %arg5[%dma_wait3A, %dma_wait3A_9, %dma_wait3A_10] : memref<2048x100x64xf32, #tpu.memory_space<hbm>> -> memref<1x100x64xf32, #tpu.memory_space<hbm>>
    %dma_wait3A_12 = tpu.memref_squeeze %dma_wait3A_11 : memref<1x100x64xf32, #tpu.memory_space<hbm>> -> memref<100x64xf32, #tpu.memory_space<hbm>>
    %dma_wait3A_13 = arith.constant 0 : i32
    %dma_wait3A_14 = arith.constant 0 : i32
    %dma_wait3A_15 = tpu.memref_slice %arg5[%dma_wait3A, %dma_wait3A_13, %dma_wait3A_14] : memref<2048x100x64xf32, #tpu.memory_space<hbm>> -> memref<1x100x64xf32, #tpu.memory_space<hbm>>
    %dma_wait3A_16 = tpu.memref_squeeze %dma_wait3A_15 : memref<1x100x64xf32, #tpu.memory_space<hbm>> -> memref<100x64xf32, #tpu.memory_space<hbm>>
    tpu.wait_dma2 semaphore(%arg10 : memref<!tpu.dma_semaphore, #tpu.memory_space<semaphore_mem>>) src(%arg8 : memref<100x64xf32, #tpu.memory_space<vmem>>) dst(%dma_wait3A_16 : memref<100x64xf32, #tpu.memory_space<hbm>>)
    %add3A_17 = arith.constant 0 : i32
    %add3A_18 = arith.addi %mul3A_2, %add3A_17 : i32
    %rem3A = arith.constant 2 : i32
    %rem3A_19 = arith.remsi %add3A_18, %rem3A : i32
    %mul3A_20 = arith.constant 100 : i32
    %mul3A_21 = arith.muli %rem3A_19, %mul3A_20 : i32
    %scan3A = arith.constant 0 : i32
    %scan3A_22 = arith.constant 100 : i32
    %scan3A_23 = arith.addi %scan3A, %scan3A_22 : i32
    %scan3A_24 = arith.constant 4 : i32
    scf.for %scan3A_96 = %scan3A to %scan3A_23 step %scan3A_24  : i32 {
      %add3A_97 = arith.addi %mul3A_21, %scan3A_96 : i32
      %get3A = arith.index_cast %add3A_97 : i32 to index
      %get3A_98 = arith.constant 0 : index
      %get3A_99 = tpu.vector_load %arg7[%get3A, %get3A_98] {strides = array<i32>} : memref<200x64xf32, #tpu.memory_space<vmem>>, vector<1x16xf32>,
      %get3A_100 = vector.shape_cast %get3A_99 : vector<1x16xf32> to vector<16xf32>
      %swap3A = arith.index_cast %scan3A_96 : i32 to index
      %swap3A_101 = arith.constant 0 : index
      %swap3A_102 = tpu.vector_load %arg8[%swap3A, %swap3A_101] {strides = array<i32>} : memref<100x64xf32, #tpu.memory_space<vmem>>, vector<1x16xf32>,
      %swap3A_103 = vector.shape_cast %swap3A_102 : vector<1x16xf32> to vector<16xf32>
      %swap3A_104 = vector.shape_cast %get3A_100 : vector<16xf32> to vector<1x16xf32>
      tpu.vector_store %arg8[%swap3A, %swap3A_101], %swap3A_104 {add = true, strides = array<i32>} : memref<100x64xf32, #tpu.memory_space<vmem>>, vector<1x16xf32>,
      %add3A_105 = arith.addi %mul3A_21, %scan3A_96 : i32
      %get3A_106 = arith.index_cast %add3A_105 : i32 to index
      %get3A_107 = arith.constant 16 : index
      %get3A_108 = tpu.vector_load %arg7[%get3A_106, %get3A_107] {strides = array<i32>} : memref<200x64xf32, #tpu.memory_space<vmem>>, vector<1x16xf32>,
      %get3A_109 = vector.shape_cast %get3A_108 : vector<1x16xf32> to vector<16xf32>
      %swap3A_110 = arith.index_cast %scan3A_96 : i32 to index
      %swap3A_111 = arith.constant 16 : index
      %swap3A_112 = tpu.vector_load %arg8[%swap3A_110, %swap3A_111] {strides = array<i32>} : memref<100x64xf32, #tpu.memory_space<vmem>>, vector<1x16xf32>,
      %swap3A_113 = vector.shape_cast %swap3A_112 : vector<1x16xf32> to vector<16xf32>
      %swap3A_114 = vector.shape_cast %get3A_109 : vector<16xf32> to vector<1x16xf32>
      tpu.vector_store %arg8[%swap3A_110, %swap3A_111], %swap3A_114 {add = true, strides = array<i32>} : memref<100x64xf32, #tpu.memory_space<vmem>>, vector<1x16xf32>,
      %add3A_115 = arith.addi %mul3A_21, %scan3A_96 : i32
      %get3A_116 = arith.index_cast %add3A_115 : i32 to index
      %get3A_117 = arith.constant 32 : index
      %get3A_118 = tpu.vector_load %arg7[%get3A_116, %get3A_117] {strides = array<i32>} : memref<200x64xf32, #tpu.memory_space<vmem>>, vector<1x16xf32>,
      %get3A_119 = vector.shape_cast %get3A_118 : vector<1x16xf32> to vector<16xf32>
      %swap3A_120 = arith.index_cast %scan3A_96 : i32 to index
      %swap3A_121 = arith.constant 32 : index
      %swap3A_122 = tpu.vector_load %arg8[%swap3A_120, %swap3A_121] {strides = array<i32>} : memref<100x64xf32, #tpu.memory_space<vmem>>, vector<1x16xf32>,
      %swap3A_123 = vector.shape_cast %swap3A_122 : vector<1x16xf32> to vector<16xf32>
      %swap3A_124 = vector.shape_cast %get3A_119 : vector<16xf32> to vector<1x16xf32>
      tpu.vector_store %arg8[%swap3A_120, %swap3A_121], %swap3A_124 {add = true, strides = array<i32>} : memref<100x64xf32, #tpu.memory_space<vmem>>, vector<1x16xf32>,
      %add3A_125 = arith.addi %mul3A_21, %scan3A_96 : i32
      %get3A_126 = arith.index_cast %add3A_125 : i32 to index
      %get3A_127 = arith.constant 48 : index
      %get3A_128 = tpu.vector_load %arg7[%get3A_126, %get3A_127] {strides = array<i32>} : memref<200x64xf32, #tpu.memory_space<vmem>>, vector<1x16xf32>,
      %get3A_129 = vector.shape_cast %get3A_128 : vector<1x16xf32> to vector<16xf32>
      %swap3A_130 = arith.index_cast %scan3A_96 : i32 to index
      %swap3A_131 = arith.constant 48 : index
      %swap3A_132 = tpu.vector_load %arg8[%swap3A_130, %swap3A_131] {strides = array<i32>} : memref<100x64xf32, #tpu.memory_space<vmem>>, vector<1x16xf32>,
      %swap3A_133 = vector.shape_cast %swap3A_132 : vector<1x16xf32> to vector<16xf32>
      %swap3A_134 = vector.shape_cast %get3A_129 : vector<16xf32> to vector<1x16xf32>
      tpu.vector_store %arg8[%swap3A_130, %swap3A_131], %swap3A_134 {add = true, strides = array<i32>} : memref<100x64xf32, #tpu.memory_space<vmem>>, vector<1x16xf32>,
      %scan3A_135 = arith.constant 1 : i32
      %scan3A_136 = arith.addi %scan3A_96, %scan3A_135 : i32
      %add3A_137 = arith.addi %mul3A_21, %scan3A_136 : i32
      %get3A_138 = arith.index_cast %add3A_137 : i32 to index
      %get3A_139 = arith.constant 0 : index
      %get3A_140 = tpu.vector_load %arg7[%get3A_138, %get3A_139] {strides = array<i32>} : memref<200x64xf32, #tpu.memory_space<vmem>>, vector<1x16xf32>,
      %get3A_141 = vector.shape_cast %get3A_140 : vector<1x16xf32> to vector<16xf32>
      %swap3A_142 = arith.index_cast %scan3A_136 : i32 to index
      %swap3A_143 = arith.constant 0 : index
      %swap3A_144 = tpu.vector_load %arg8[%swap3A_142, %swap3A_143] {strides = array<i32>} : memref<100x64xf32, #tpu.memory_space<vmem>>, vector<1x16xf32>,
      %swap3A_145 = vector.shape_cast %swap3A_144 : vector<1x16xf32> to vector<16xf32>
      %swap3A_146 = vector.shape_cast %get3A_141 : vector<16xf32> to vector<1x16xf32>
      tpu.vector_store %arg8[%swap3A_142, %swap3A_143], %swap3A_146 {add = true, strides = array<i32>} : memref<100x64xf32, #tpu.memory_space<vmem>>, vector<1x16xf32>,
      %add3A_147 = arith.addi %mul3A_21, %scan3A_136 : i32
      %get3A_148 = arith.index_cast %add3A_147 : i32 to index
      %get3A_149 = arith.constant 16 : index
      %get3A_150 = tpu.vector_load %arg7[%get3A_148, %get3A_149] {strides = array<i32>} : memref<200x64xf32, #tpu.memory_space<vmem>>, vector<1x16xf32>,
      %get3A_151 = vector.shape_cast %get3A_150 : vector<1x16xf32> to vector<16xf32>
      %swap3A_152 = arith.index_cast %scan3A_136 : i32 to index
      %swap3A_153 = arith.constant 16 : index
      %swap3A_154 = tpu.vector_load %arg8[%swap3A_152, %swap3A_153] {strides = array<i32>} : memref<100x64xf32, #tpu.memory_space<vmem>>, vector<1x16xf32>,
      %swap3A_155 = vector.shape_cast %swap3A_154 : vector<1x16xf32> to vector<16xf32>
      %swap3A_156 = vector.shape_cast %get3A_151 : vector<16xf32> to vector<1x16xf32>
      tpu.vector_store %arg8[%swap3A_152, %swap3A_153], %swap3A_156 {add = true, strides = array<i32>} : memref<100x64xf32, #tpu.memory_space<vmem>>, vector<1x16xf32>,
      %add3A_157 = arith.addi %mul3A_21, %scan3A_136 : i32
      %get3A_158 = arith.index_cast %add3A_157 : i32 to index
      %get3A_159 = arith.constant 32 : index
      %get3A_160 = tpu.vector_load %arg7[%get3A_158, %get3A_159] {strides = array<i32>} : memref<200x64xf32, #tpu.memory_space<vmem>>, vector<1x16xf32>,
      %get3A_161 = vector.shape_cast %get3A_160 : vector<1x16xf32> to vector<16xf32>
      %swap3A_162 = arith.index_cast %scan3A_136 : i32 to index
      %swap3A_163 = arith.constant 32 : index
      %swap3A_164 = tpu.vector_load %arg8[%swap3A_162, %swap3A_163] {strides = array<i32>} : memref<100x64xf32, #tpu.memory_space<vmem>>, vector<1x16xf32>,
      %swap3A_165 = vector.shape_cast %swap3A_164 : vector<1x16xf32> to vector<16xf32>
      %swap3A_166 = vector.shape_cast %get3A_161 : vector<16xf32> to vector<1x16xf32>
      tpu.vector_store %arg8[%swap3A_162, %swap3A_163], %swap3A_166 {add = true, strides = array<i32>} : memref<100x64xf32, #tpu.memory_space<vmem>>, vector<1x16xf32>,
      %add3A_167 = arith.addi %mul3A_21, %scan3A_136 : i32
      %get3A_168 = arith.index_cast %add3A_167 : i32 to index
      %get3A_169 = arith.constant 48 : index
      %get3A_170 = tpu.vector_load %arg7[%get3A_168, %get3A_169] {strides = array<i32>} : memref<200x64xf32, #tpu.memory_space<vmem>>, vector<1x16xf32>,
      %get3A_171 = vector.shape_cast %get3A_170 : vector<1x16xf32> to vector<16xf32>
      %swap3A_172 = arith.index_cast %scan3A_136 : i32 to index
      %swap3A_173 = arith.constant 48 : index
      %swap3A_174 = tpu.vector_load %arg8[%swap3A_172, %swap3A_173] {strides = array<i32>} : memref<100x64xf32, #tpu.memory_space<vmem>>, vector<1x16xf32>,
      %swap3A_175 = vector.shape_cast %swap3A_174 : vector<1x16xf32> to vector<16xf32>
      %swap3A_176 = vector.shape_cast %get3A_171 : vector<16xf32> to vector<1x16xf32>
      tpu.vector_store %arg8[%swap3A_172, %swap3A_173], %swap3A_176 {add = true, strides = array<i32>} : memref<100x64xf32, #tpu.memory_space<vmem>>, vector<1x16xf32>,
      %scan3A_177 = arith.constant 2 : i32
      %scan3A_178 = arith.addi %scan3A_96, %scan3A_177 : i32
      %add3A_179 = arith.addi %mul3A_21, %scan3A_178 : i32
      %get3A_180 = arith.index_cast %add3A_179 : i32 to index
      %get3A_181 = arith.constant 0 : index
      %get3A_182 = tpu.vector_load %arg7[%get3A_180, %get3A_181] {strides = array<i32>} : memref<200x64xf32, #tpu.memory_space<vmem>>, vector<1x16xf32>,
      %get3A_183 = vector.shape_cast %get3A_182 : vector<1x16xf32> to vector<16xf32>
      %swap3A_184 = arith.index_cast %scan3A_178 : i32 to index
      %swap3A_185 = arith.constant 0 : index
      %swap3A_186 = tpu.vector_load %arg8[%swap3A_184, %swap3A_185] {strides = array<i32>} : memref<100x64xf32, #tpu.memory_space<vmem>>, vector<1x16xf32>,
      %swap3A_187 = vector.shape_cast %swap3A_186 : vector<1x16xf32> to vector<16xf32>
      %swap3A_188 = vector.shape_cast %get3A_183 : vector<16xf32> to vector<1x16xf32>
      tpu.vector_store %arg8[%swap3A_184, %swap3A_185], %swap3A_188 {add = true, strides = array<i32>} : memref<100x64xf32, #tpu.memory_space<vmem>>, vector<1x16xf32>,
      %add3A_189 = arith.addi %mul3A_21, %scan3A_178 : i32
      %get3A_190 = arith.index_cast %add3A_189 : i32 to index
      %get3A_191 = arith.constant 16 : index
      %get3A_192 = tpu.vector_load %arg7[%get3A_190, %get3A_191] {strides = array<i32>} : memref<200x64xf32, #tpu.memory_space<vmem>>, vector<1x16xf32>,
      %get3A_193 = vector.shape_cast %get3A_192 : vector<1x16xf32> to vector<16xf32>
      %swap3A_194 = arith.index_cast %scan3A_178 : i32 to index
      %swap3A_195 = arith.constant 16 : index
      %swap3A_196 = tpu.vector_load %arg8[%swap3A_194, %swap3A_195] {strides = array<i32>} : memref<100x64xf32, #tpu.memory_space<vmem>>, vector<1x16xf32>,
      %swap3A_197 = vector.shape_cast %swap3A_196 : vector<1x16xf32> to vector<16xf32>
      %swap3A_198 = vector.shape_cast %get3A_193 : vector<16xf32> to vector<1x16xf32>
      tpu.vector_store %arg8[%swap3A_194, %swap3A_195], %swap3A_198 {add = true, strides = array<i32>} : memref<100x64xf32, #tpu.memory_space<vmem>>, vector<1x16xf32>,
      %add3A_199 = arith.addi %mul3A_21, %scan3A_178 : i32
      %get3A_200 = arith.index_cast %add3A_199 : i32 to index
      %get3A_201 = arith.constant 32 : index
      %get3A_202 = tpu.vector_load %arg7[%get3A_200, %get3A_201] {strides = array<i32>} : memref<200x64xf32, #tpu.memory_space<vmem>>, vector<1x16xf32>,
      %get3A_203 = vector.shape_cast %get3A_202 : vector<1x16xf32> to vector<16xf32>
      %swap3A_204 = arith.index_cast %scan3A_178 : i32 to index
      %swap3A_205 = arith.constant 32 : index
      %swap3A_206 = tpu.vector_load %arg8[%swap3A_204, %swap3A_205] {strides = array<i32>} : memref<100x64xf32, #tpu.memory_space<vmem>>, vector<1x16xf32>,
      %swap3A_207 = vector.shape_cast %swap3A_206 : vector<1x16xf32> to vector<16xf32>
      %swap3A_208 = vector.shape_cast %get3A_203 : vector<16xf32> to vector<1x16xf32>
      tpu.vector_store %arg8[%swap3A_204, %swap3A_205], %swap3A_208 {add = true, strides = array<i32>} : memref<100x64xf32, #tpu.memory_space<vmem>>, vector<1x16xf32>,
      %add3A_209 = arith.addi %mul3A_21, %scan3A_178 : i32
      %get3A_210 = arith.index_cast %add3A_209 : i32 to index
      %get3A_211 = arith.constant 48 : index
      %get3A_212 = tpu.vector_load %arg7[%get3A_210, %get3A_211] {strides = array<i32>} : memref<200x64xf32, #tpu.memory_space<vmem>>, vector<1x16xf32>,
      %get3A_213 = vector.shape_cast %get3A_212 : vector<1x16xf32> to vector<16xf32>
      %swap3A_214 = arith.index_cast %scan3A_178 : i32 to index
      %swap3A_215 = arith.constant 48 : index
      %swap3A_216 = tpu.vector_load %arg8[%swap3A_214, %swap3A_215] {strides = array<i32>} : memref<100x64xf32, #tpu.memory_space<vmem>>, vector<1x16xf32>,
      %swap3A_217 = vector.shape_cast %swap3A_216 : vector<1x16xf32> to vector<16xf32>
      %swap3A_218 = vector.shape_cast %get3A_213 : vector<16xf32> to vector<1x16xf32>
      tpu.vector_store %arg8[%swap3A_214, %swap3A_215], %swap3A_218 {add = true, strides = array<i32>} : memref<100x64xf32, #tpu.memory_space<vmem>>, vector<1x16xf32>,
      %scan3A_219 = arith.constant 3 : i32
      %scan3A_220 = arith.addi %scan3A_96, %scan3A_219 : i32
      %add3A_221 = arith.addi %mul3A_21, %scan3A_220 : i32
      %get3A_222 = arith.index_cast %add3A_221 : i32 to index
      %get3A_223 = arith.constant 0 : index
      %get3A_224 = tpu.vector_load %arg7[%get3A_222, %get3A_223] {strides = array<i32>} : memref<200x64xf32, #tpu.memory_space<vmem>>, vector<1x16xf32>,
      %get3A_225 = vector.shape_cast %get3A_224 : vector<1x16xf32> to vector<16xf32>
      %swap3A_226 = arith.index_cast %scan3A_220 : i32 to index
      %swap3A_227 = arith.constant 0 : index
      %swap3A_228 = tpu.vector_load %arg8[%swap3A_226, %swap3A_227] {strides = array<i32>} : memref<100x64xf32, #tpu.memory_space<vmem>>, vector<1x16xf32>,
      %swap3A_229 = vector.shape_cast %swap3A_228 : vector<1x16xf32> to vector<16xf32>
      %swap3A_230 = vector.shape_cast %get3A_225 : vector<16xf32> to vector<1x16xf32>
      tpu.vector_store %arg8[%swap3A_226, %swap3A_227], %swap3A_230 {add = true, strides = array<i32>} : memref<100x64xf32, #tpu.memory_space<vmem>>, vector<1x16xf32>,
      %add3A_231 = arith.addi %mul3A_21, %scan3A_220 : i32
      %get3A_232 = arith.index_cast %add3A_231 : i32 to index
      %get3A_233 = arith.constant 16 : index
      %get3A_234 = tpu.vector_load %arg7[%get3A_232, %get3A_233] {strides = array<i32>} : memref<200x64xf32, #tpu.memory_space<vmem>>, vector<1x16xf32>,
      %get3A_235 = vector.shape_cast %get3A_234 : vector<1x16xf32> to vector<16xf32>
      %swap3A_236 = arith.index_cast %scan3A_220 : i32 to index
      %swap3A_237 = arith.constant 16 : index
      %swap3A_238 = tpu.vector_load %arg8[%swap3A_236, %swap3A_237] {strides = array<i32>} : memref<100x64xf32, #tpu.memory_space<vmem>>, vector<1x16xf32>,
      %swap3A_239 = vector.shape_cast %swap3A_238 : vector<1x16xf32> to vector<16xf32>
      %swap3A_240 = vector.shape_cast %get3A_235 : vector<16xf32> to vector<1x16xf32>
      tpu.vector_store %arg8[%swap3A_236, %swap3A_237], %swap3A_240 {add = true, strides = array<i32>} : memref<100x64xf32, #tpu.memory_space<vmem>>, vector<1x16xf32>,
      %add3A_241 = arith.addi %mul3A_21, %scan3A_220 : i32
      %get3A_242 = arith.index_cast %add3A_241 : i32 to index
      %get3A_243 = arith.constant 32 : index
      %get3A_244 = tpu.vector_load %arg7[%get3A_242, %get3A_243] {strides = array<i32>} : memref<200x64xf32, #tpu.memory_space<vmem>>, vector<1x16xf32>,
      %get3A_245 = vector.shape_cast %get3A_244 : vector<1x16xf32> to vector<16xf32>
      %swap3A_246 = arith.index_cast %scan3A_220 : i32 to index
      %swap3A_247 = arith.constant 32 : index
      %swap3A_248 = tpu.vector_load %arg8[%swap3A_246, %swap3A_247] {strides = array<i32>} : memref<100x64xf32, #tpu.memory_space<vmem>>, vector<1x16xf32>,
      %swap3A_249 = vector.shape_cast %swap3A_248 : vector<1x16xf32> to vector<16xf32>
      %swap3A_250 = vector.shape_cast %get3A_245 : vector<16xf32> to vector<1x16xf32>
      tpu.vector_store %arg8[%swap3A_246, %swap3A_247], %swap3A_250 {add = true, strides = array<i32>} : memref<100x64xf32, #tpu.memory_space<vmem>>, vector<1x16xf32>,
      %add3A_251 = arith.addi %mul3A_21, %scan3A_220 : i32
      %get3A_252 = arith.index_cast %add3A_251 : i32 to index
      %get3A_253 = arith.constant 48 : index
      %get3A_254 = tpu.vector_load %arg7[%get3A_252, %get3A_253] {strides = array<i32>} : memref<200x64xf32, #tpu.memory_space<vmem>>, vector<1x16xf32>,
      %get3A_255 = vector.shape_cast %get3A_254 : vector<1x16xf32> to vector<16xf32>
      %swap3A_256 = arith.index_cast %scan3A_220 : i32 to index
      %swap3A_257 = arith.constant 48 : index
      %swap3A_258 = tpu.vector_load %arg8[%swap3A_256, %swap3A_257] {strides = array<i32>} : memref<100x64xf32, #tpu.memory_space<vmem>>, vector<1x16xf32>,
      %swap3A_259 = vector.shape_cast %swap3A_258 : vector<1x16xf32> to vector<16xf32>
      %swap3A_260 = vector.shape_cast %get3A_255 : vector<16xf32> to vector<1x16xf32>
      tpu.vector_store %arg8[%swap3A_256, %swap3A_257], %swap3A_260 {add = true, strides = array<i32>} : memref<100x64xf32, #tpu.memory_space<vmem>>, vector<1x16xf32>,
    }
    %scan3A_25 = arith.constant 100 : i32
    %dma_start3A_26 = arith.constant 1 : i32
    %dma_start3A_27 = arith.constant 0 : i32
    %dma_start3A_28 = tpu.memref_slice %arg6[%dma_start3A_26, %dma_start3A_27] : memref<64x100xi32, #tpu.memory_space<vmem>> -> memref<1x100xi32, #tpu.memory_space<vmem>>
    %dma_start3A_29 = tpu.memref_squeeze %dma_start3A_28 : memref<1x100xi32, #tpu.memory_space<vmem>> -> memref<100xi32, #tpu.memory_space<vmem>>
    %dma_start3A_30 = arith.constant 0 : i32
    %dma_start3A_31 = arith.constant 0 : i32
    %dma_start3A_32 = tpu.memref_slice %arg3[%dma_start3A_30, %dma_start3A_31] : memref<1000000x64xf32, #tpu.memory_space<hbm>> -> memref<1000000x64xf32, #tpu.memory_space<hbm>>
    tpu.enqueue_indirect_dma source(%dma_start3A_32 : memref<1000000x64xf32, #tpu.memory_space<hbm>>) target(%arg9 : memref<100x64xf32, #tpu.memory_space<vmem>>) offsets(%dma_start3A_29 : memref<100xi32, #tpu.memory_space<vmem>>) semaphore(%arg11 : memref<!tpu.dma_semaphore, #tpu.memory_space<semaphore_mem>>)
    %add3A_33 = arith.constant 0 : i32
    %add3A_34 = arith.addi %mul3A_2, %add3A_33 : i32
    %dma_start3A_35 = arith.constant 0 : i32
    %dma_start3A_36 = arith.constant 0 : i32
    %dma_start3A_37 = tpu.memref_slice %arg5[%add3A_34, %dma_start3A_35, %dma_start3A_36] : memref<2048x100x64xf32, #tpu.memory_space<hbm>> -> memref<1x100x64xf32, #tpu.memory_space<hbm>>
    %dma_start3A_38 = tpu.memref_squeeze %dma_start3A_37 : memref<1x100x64xf32, #tpu.memory_space<hbm>> -> memref<100x64xf32, #tpu.memory_space<hbm>>
    %dma_start3A_39 = arith.constant 0 : i32
    %dma_start3A_40 = arith.constant 0 : i32
    %dma_start3A_41 = tpu.memref_slice %arg5[%add3A_34, %dma_start3A_39, %dma_start3A_40] : memref<2048x100x64xf32, #tpu.memory_space<hbm>> -> memref<1x100x64xf32, #tpu.memory_space<hbm>>
    %dma_start3A_42 = tpu.memref_squeeze %dma_start3A_41 : memref<1x100x64xf32, #tpu.memory_space<hbm>> -> memref<100x64xf32, #tpu.memory_space<hbm>>
    tpu.enqueue_dma source(%arg8 : memref<100x64xf32, #tpu.memory_space<vmem>>) target(%dma_start3A_42 : memref<100x64xf32, #tpu.memory_space<hbm>>) target_semaphore(%arg12 : memref<!tpu.dma_semaphore, #tpu.memory_space<semaphore_mem>>)
    %scan3A_43 = arith.constant 0 : i32
    %scan3A_44 = arith.constant 31 : i32
    %scan3A_45 = arith.addi %scan3A_43, %scan3A_44 : i32
    %scan3A_46 = arith.constant 1 : i32
    scf.for %scan3A_96 = %scan3A_43 to %scan3A_45 step %scan3A_46  : i32 {
      %mul3A_97 = arith.constant 2 : i32
      %mul3A_98 = arith.muli %scan3A_96, %mul3A_97 : i32
      %add3A_99 = arith.constant 1 : i32
      %add3A_100 = arith.addi %add3A_99, %mul3A_98 : i32
      %add3A_101 = arith.constant 0 : i32
      %add3A_102 = arith.addi %add3A_100, %add3A_101 : i32
      %dma_wait3A_103 = arith.constant 0 : i32
      %dma_wait3A_104 = arith.constant 0 : i32
      %dma_wait3A_105 = arith.constant 0 : i32
      %dma_wait3A_106 = tpu.memref_slice %arg5[%dma_wait3A_103, %dma_wait3A_104, %dma_wait3A_105] : memref<2048x100x64xf32, #tpu.memory_space<hbm>> -> memref<1x100x64xf32, #tpu.memory_space<hbm>>
      %dma_wait3A_107 = tpu.memref_squeeze %dma_wait3A_106 : memref<1x100x64xf32, #tpu.memory_space<hbm>> -> memref<100x64xf32, #tpu.memory_space<hbm>>
      %dma_wait3A_108 = arith.constant 0 : i32
      %dma_wait3A_109 = arith.constant 0 : i32
      %dma_wait3A_110 = tpu.memref_slice %arg5[%dma_wait3A_103, %dma_wait3A_108, %dma_wait3A_109] : memref<2048x100x64xf32, #tpu.memory_space<hbm>> -> memref<1x100x64xf32, #tpu.memory_space<hbm>>
      %dma_wait3A_111 = tpu.memref_squeeze %dma_wait3A_110 : memref<1x100x64xf32, #tpu.memory_space<hbm>> -> memref<100x64xf32, #tpu.memory_space<hbm>>
      tpu.wait_dma2 semaphore(%arg11 : memref<!tpu.dma_semaphore, #tpu.memory_space<semaphore_mem>>) src(%arg9 : memref<100x64xf32, #tpu.memory_space<vmem>>) dst(%dma_wait3A_111 : memref<100x64xf32, #tpu.memory_space<hbm>>)
      %add3A_112 = arith.addi %mul3A_2, %add3A_102 : i32
      %rem3A_113 = arith.constant 2 : i32
      %rem3A_114 = arith.remsi %add3A_112, %rem3A_113 : i32
      %mul3A_115 = arith.constant 100 : i32
      %mul3A_116 = arith.muli %rem3A_114, %mul3A_115 : i32
      %scan3A_117 = arith.constant 0 : i32
      %scan3A_118 = arith.constant 100 : i32
      %scan3A_119 = arith.addi %scan3A_117, %scan3A_118 : i32
      %scan3A_120 = arith.constant 4 : i32
      scf.for %scan3A_195 = %scan3A_117 to %scan3A_119 step %scan3A_120  : i32 {
        %add3A_196 = arith.addi %mul3A_116, %scan3A_195 : i32
        %get3A = arith.index_cast %add3A_196 : i32 to index
        %get3A_197 = arith.constant 0 : index
        %get3A_198 = tpu.vector_load %arg7[%get3A, %get3A_197] {strides = array<i32>} : memref<200x64xf32, #tpu.memory_space<vmem>>, vector<1x16xf32>,
        %get3A_199 = vector.shape_cast %get3A_198 : vector<1x16xf32> to vector<16xf32>
        %swap3A = arith.index_cast %scan3A_195 : i32 to index
        %swap3A_200 = arith.constant 0 : index
        %swap3A_201 = tpu.vector_load %arg9[%swap3A, %swap3A_200] {strides = array<i32>} : memref<100x64xf32, #tpu.memory_space<vmem>>, vector<1x16xf32>,
        %swap3A_202 = vector.shape_cast %swap3A_201 : vector<1x16xf32> to vector<16xf32>
        %swap3A_203 = vector.shape_cast %get3A_199 : vector<16xf32> to vector<1x16xf32>
        tpu.vector_store %arg9[%swap3A, %swap3A_200], %swap3A_203 {add = true, strides = array<i32>} : memref<100x64xf32, #tpu.memory_space<vmem>>, vector<1x16xf32>,
        %add3A_204 = arith.addi %mul3A_116, %scan3A_195 : i32
        %get3A_205 = arith.index_cast %add3A_204 : i32 to index
        %get3A_206 = arith.constant 16 : index
        %get3A_207 = tpu.vector_load %arg7[%get3A_205, %get3A_206] {strides = array<i32>} : memref<200x64xf32, #tpu.memory_space<vmem>>, vector<1x16xf32>,
        %get3A_208 = vector.shape_cast %get3A_207 : vector<1x16xf32> to vector<16xf32>
        %swap3A_209 = arith.index_cast %scan3A_195 : i32 to index
        %swap3A_210 = arith.constant 16 : index
        %swap3A_211 = tpu.vector_load %arg9[%swap3A_209, %swap3A_210] {strides = array<i32>} : memref<100x64xf32, #tpu.memory_space<vmem>>, vector<1x16xf32>,
        %swap3A_212 = vector.shape_cast %swap3A_211 : vector<1x16xf32> to vector<16xf32>
        %swap3A_213 = vector.shape_cast %get3A_208 : vector<16xf32> to vector<1x16xf32>
        tpu.vector_store %arg9[%swap3A_209, %swap3A_210], %swap3A_213 {add = true, strides = array<i32>} : memref<100x64xf32, #tpu.memory_space<vmem>>, vector<1x16xf32>,
        %add3A_214 = arith.addi %mul3A_116, %scan3A_195 : i32
        %get3A_215 = arith.index_cast %add3A_214 : i32 to index
        %get3A_216 = arith.constant 32 : index
        %get3A_217 = tpu.vector_load %arg7[%get3A_215, %get3A_216] {strides = array<i32>} : memref<200x64xf32, #tpu.memory_space<vmem>>, vector<1x16xf32>,
        %get3A_218 = vector.shape_cast %get3A_217 : vector<1x16xf32> to vector<16xf32>
        %swap3A_219 = arith.index_cast %scan3A_195 : i32 to index
        %swap3A_220 = arith.constant 32 : index
        %swap3A_221 = tpu.vector_load %arg9[%swap3A_219, %swap3A_220] {strides = array<i32>} : memref<100x64xf32, #tpu.memory_space<vmem>>, vector<1x16xf32>,
        %swap3A_222 = vector.shape_cast %swap3A_221 : vector<1x16xf32> to vector<16xf32>
        %swap3A_223 = vector.shape_cast %get3A_218 : vector<16xf32> to vector<1x16xf32>
        tpu.vector_store %arg9[%swap3A_219, %swap3A_220], %swap3A_223 {add = true, strides = array<i32>} : memref<100x64xf32, #tpu.memory_space<vmem>>, vector<1x16xf32>,
        %add3A_224 = arith.addi %mul3A_116, %scan3A_195 : i32
        %get3A_225 = arith.index_cast %add3A_224 : i32 to index
        %get3A_226 = arith.constant 48 : index
        %get3A_227 = tpu.vector_load %arg7[%get3A_225, %get3A_226] {strides = array<i32>} : memref<200x64xf32, #tpu.memory_space<vmem>>, vector<1x16xf32>,
        %get3A_228 = vector.shape_cast %get3A_227 : vector<1x16xf32> to vector<16xf32>
        %swap3A_229 = arith.index_cast %scan3A_195 : i32 to index
        %swap3A_230 = arith.constant 48 : index
        %swap3A_231 = tpu.vector_load %arg9[%swap3A_229, %swap3A_230] {strides = array<i32>} : memref<100x64xf32, #tpu.memory_space<vmem>>, vector<1x16xf32>,
        %swap3A_232 = vector.shape_cast %swap3A_231 : vector<1x16xf32> to vector<16xf32>
        %swap3A_233 = vector.shape_cast %get3A_228 : vector<16xf32> to vector<1x16xf32>
        tpu.vector_store %arg9[%swap3A_229, %swap3A_230], %swap3A_233 {add = true, strides = array<i32>} : memref<100x64xf32, #tpu.memory_space<vmem>>, vector<1x16xf32>,
        %scan3A_234 = arith.constant 1 : i32
        %scan3A_235 = arith.addi %scan3A_195, %scan3A_234 : i32
        %add3A_236 = arith.addi %mul3A_116, %scan3A_235 : i32
        %get3A_237 = arith.index_cast %add3A_236 : i32 to index
        %get3A_238 = arith.constant 0 : index
        %get3A_239 = tpu.vector_load %arg7[%get3A_237, %get3A_238] {strides = array<i32>} : memref<200x64xf32, #tpu.memory_space<vmem>>, vector<1x16xf32>,
        %get3A_240 = vector.shape_cast %get3A_239 : vector<1x16xf32> to vector<16xf32>
        %swap3A_241 = arith.index_cast %scan3A_235 : i32 to index
        %swap3A_242 = arith.constant 0 : index
        %swap3A_243 = tpu.vector_load %arg9[%swap3A_241, %swap3A_242] {strides = array<i32>} : memref<100x64xf32, #tpu.memory_space<vmem>>, vector<1x16xf32>,
        %swap3A_244 = vector.shape_cast %swap3A_243 : vector<1x16xf32> to vector<16xf32>
        %swap3A_245 = vector.shape_cast %get3A_240 : vector<16xf32> to vector<1x16xf32>
        tpu.vector_store %arg9[%swap3A_241, %swap3A_242], %swap3A_245 {add = true, strides = array<i32>} : memref<100x64xf32, #tpu.memory_space<vmem>>, vector<1x16xf32>,
        %add3A_246 = arith.addi %mul3A_116, %scan3A_235 : i32
        %get3A_247 = arith.index_cast %add3A_246 : i32 to index
        %get3A_248 = arith.constant 16 : index
        %get3A_249 = tpu.vector_load %arg7[%get3A_247, %get3A_248] {strides = array<i32>} : memref<200x64xf32, #tpu.memory_space<vmem>>, vector<1x16xf32>,
        %get3A_250 = vector.shape_cast %get3A_249 : vector<1x16xf32> to vector<16xf32>
        %swap3A_251 = arith.index_cast %scan3A_235 : i32 to index
        %swap3A_252 = arith.constant 16 : index
        %swap3A_253 = tpu.vector_load %arg9[%swap3A_251, %swap3A_252] {strides = array<i32>} : memref<100x64xf32, #tpu.memory_space<vmem>>, vector<1x16xf32>,
        %swap3A_254 = vector.shape_cast %swap3A_253 : vector<1x16xf32> to vector<16xf32>
        %swap3A_255 = vector.shape_cast %get3A_250 : vector<16xf32> to vector<1x16xf32>
        tpu.vector_store %arg9[%swap3A_251, %swap3A_252], %swap3A_255 {add = true, strides = array<i32>} : memref<100x64xf32, #tpu.memory_space<vmem>>, vector<1x16xf32>,
        %add3A_256 = arith.addi %mul3A_116, %scan3A_235 : i32
        %get3A_257 = arith.index_cast %add3A_256 : i32 to index
        %get3A_258 = arith.constant 32 : index
        %get3A_259 = tpu.vector_load %arg7[%get3A_257, %get3A_258] {strides = array<i32>} : memref<200x64xf32, #tpu.memory_space<vmem>>, vector<1x16xf32>,
        %get3A_260 = vector.shape_cast %get3A_259 : vector<1x16xf32> to vector<16xf32>
        %swap3A_261 = arith.index_cast %scan3A_235 : i32 to index
        %swap3A_262 = arith.constant 32 : index
        %swap3A_263 = tpu.vector_load %arg9[%swap3A_261, %swap3A_262] {strides = array<i32>} : memref<100x64xf32, #tpu.memory_space<vmem>>, vector<1x16xf32>,
        %swap3A_264 = vector.shape_cast %swap3A_263 : vector<1x16xf32> to vector<16xf32>
        %swap3A_265 = vector.shape_cast %get3A_260 : vector<16xf32> to vector<1x16xf32>
        tpu.vector_store %arg9[%swap3A_261, %swap3A_262], %swap3A_265 {add = true, strides = array<i32>} : memref<100x64xf32, #tpu.memory_space<vmem>>, vector<1x16xf32>,
        %add3A_266 = arith.addi %mul3A_116, %scan3A_235 : i32
        %get3A_267 = arith.index_cast %add3A_266 : i32 to index
        %get3A_268 = arith.constant 48 : index
        %get3A_269 = tpu.vector_load %arg7[%get3A_267, %get3A_268] {strides = array<i32>} : memref<200x64xf32, #tpu.memory_space<vmem>>, vector<1x16xf32>,
        %get3A_270 = vector.shape_cast %get3A_269 : vector<1x16xf32> to vector<16xf32>
        %swap3A_271 = arith.index_cast %scan3A_235 : i32 to index
        %swap3A_272 = arith.constant 48 : index
        %swap3A_273 = tpu.vector_load %arg9[%swap3A_271, %swap3A_272] {strides = array<i32>} : memref<100x64xf32, #tpu.memory_space<vmem>>, vector<1x16xf32>,
        %swap3A_274 = vector.shape_cast %swap3A_273 : vector<1x16xf32> to vector<16xf32>
        %swap3A_275 = vector.shape_cast %get3A_270 : vector<16xf32> to vector<1x16xf32>
        tpu.vector_store %arg9[%swap3A_271, %swap3A_272], %swap3A_275 {add = true, strides = array<i32>} : memref<100x64xf32, #tpu.memory_space<vmem>>, vector<1x16xf32>,
        %scan3A_276 = arith.constant 2 : i32
        %scan3A_277 = arith.addi %scan3A_195, %scan3A_276 : i32
        %add3A_278 = arith.addi %mul3A_116, %scan3A_277 : i32
        %get3A_279 = arith.index_cast %add3A_278 : i32 to index
        %get3A_280 = arith.constant 0 : index
        %get3A_281 = tpu.vector_load %arg7[%get3A_279, %get3A_280] {strides = array<i32>} : memref<200x64xf32, #tpu.memory_space<vmem>>, vector<1x16xf32>,
        %get3A_282 = vector.shape_cast %get3A_281 : vector<1x16xf32> to vector<16xf32>
        %swap3A_283 = arith.index_cast %scan3A_277 : i32 to index
        %swap3A_284 = arith.constant 0 : index
        %swap3A_285 = tpu.vector_load %arg9[%swap3A_283, %swap3A_284] {strides = array<i32>} : memref<100x64xf32, #tpu.memory_space<vmem>>, vector<1x16xf32>,
        %swap3A_286 = vector.shape_cast %swap3A_285 : vector<1x16xf32> to vector<16xf32>
        %swap3A_287 = vector.shape_cast %get3A_282 : vector<16xf32> to vector<1x16xf32>
        tpu.vector_store %arg9[%swap3A_283, %swap3A_284], %swap3A_287 {add = true, strides = array<i32>} : memref<100x64xf32, #tpu.memory_space<vmem>>, vector<1x16xf32>,
        %add3A_288 = arith.addi %mul3A_116, %scan3A_277 : i32
        %get3A_289 = arith.index_cast %add3A_288 : i32 to index
        %get3A_290 = arith.constant 16 : index
        %get3A_291 = tpu.vector_load %arg7[%get3A_289, %get3A_290] {strides = array<i32>} : memref<200x64xf32, #tpu.memory_space<vmem>>, vector<1x16xf32>,
        %get3A_292 = vector.shape_cast %get3A_291 : vector<1x16xf32> to vector<16xf32>
        %swap3A_293 = arith.index_cast %scan3A_277 : i32 to index
        %swap3A_294 = arith.constant 16 : index
        %swap3A_295 = tpu.vector_load %arg9[%swap3A_293, %swap3A_294] {strides = array<i32>} : memref<100x64xf32, #tpu.memory_space<vmem>>, vector<1x16xf32>,
        %swap3A_296 = vector.shape_cast %swap3A_295 : vector<1x16xf32> to vector<16xf32>
        %swap3A_297 = vector.shape_cast %get3A_292 : vector<16xf32> to vector<1x16xf32>
        tpu.vector_store %arg9[%swap3A_293, %swap3A_294], %swap3A_297 {add = true, strides = array<i32>} : memref<100x64xf32, #tpu.memory_space<vmem>>, vector<1x16xf32>,
        %add3A_298 = arith.addi %mul3A_116, %scan3A_277 : i32
        %get3A_299 = arith.index_cast %add3A_298 : i32 to index
        %get3A_300 = arith.constant 32 : index
        %get3A_301 = tpu.vector_load %arg7[%get3A_299, %get3A_300] {strides = array<i32>} : memref<200x64xf32, #tpu.memory_space<vmem>>, vector<1x16xf32>,
        %get3A_302 = vector.shape_cast %get3A_301 : vector<1x16xf32> to vector<16xf32>
        %swap3A_303 = arith.index_cast %scan3A_277 : i32 to index
        %swap3A_304 = arith.constant 32 : index
        %swap3A_305 = tpu.vector_load %arg9[%swap3A_303, %swap3A_304] {strides = array<i32>} : memref<100x64xf32, #tpu.memory_space<vmem>>, vector<1x16xf32>,
        %swap3A_306 = vector.shape_cast %swap3A_305 : vector<1x16xf32> to vector<16xf32>
        %swap3A_307 = vector.shape_cast %get3A_302 : vector<16xf32> to vector<1x16xf32>
        tpu.vector_store %arg9[%swap3A_303, %swap3A_304], %swap3A_307 {add = true, strides = array<i32>} : memref<100x64xf32, #tpu.memory_space<vmem>>, vector<1x16xf32>,
        %add3A_308 = arith.addi %mul3A_116, %scan3A_277 : i32
        %get3A_309 = arith.index_cast %add3A_308 : i32 to index
        %get3A_310 = arith.constant 48 : index
        %get3A_311 = tpu.vector_load %arg7[%get3A_309, %get3A_310] {strides = array<i32>} : memref<200x64xf32, #tpu.memory_space<vmem>>, vector<1x16xf32>,
        %get3A_312 = vector.shape_cast %get3A_311 : vector<1x16xf32> to vector<16xf32>
        %swap3A_313 = arith.index_cast %scan3A_277 : i32 to index
        %swap3A_314 = arith.constant 48 : index
        %swap3A_315 = tpu.vector_load %arg9[%swap3A_313, %swap3A_314] {strides = array<i32>} : memref<100x64xf32, #tpu.memory_space<vmem>>, vector<1x16xf32>,
        %swap3A_316 = vector.shape_cast %swap3A_315 : vector<1x16xf32> to vector<16xf32>
        %swap3A_317 = vector.shape_cast %get3A_312 : vector<16xf32> to vector<1x16xf32>
        tpu.vector_store %arg9[%swap3A_313, %swap3A_314], %swap3A_317 {add = true, strides = array<i32>} : memref<100x64xf32, #tpu.memory_space<vmem>>, vector<1x16xf32>,
        %scan3A_318 = arith.constant 3 : i32
        %scan3A_319 = arith.addi %scan3A_195, %scan3A_318 : i32
        %add3A_320 = arith.addi %mul3A_116, %scan3A_319 : i32
        %get3A_321 = arith.index_cast %add3A_320 : i32 to index
        %get3A_322 = arith.constant 0 : index
        %get3A_323 = tpu.vector_load %arg7[%get3A_321, %get3A_322] {strides = array<i32>} : memref<200x64xf32, #tpu.memory_space<vmem>>, vector<1x16xf32>,
        %get3A_324 = vector.shape_cast %get3A_323 : vector<1x16xf32> to vector<16xf32>
        %swap3A_325 = arith.index_cast %scan3A_319 : i32 to index
        %swap3A_326 = arith.constant 0 : index
        %swap3A_327 = tpu.vector_load %arg9[%swap3A_325, %swap3A_326] {strides = array<i32>} : memref<100x64xf32, #tpu.memory_space<vmem>>, vector<1x16xf32>,
        %swap3A_328 = vector.shape_cast %swap3A_327 : vector<1x16xf32> to vector<16xf32>
        %swap3A_329 = vector.shape_cast %get3A_324 : vector<16xf32> to vector<1x16xf32>
        tpu.vector_store %arg9[%swap3A_325, %swap3A_326], %swap3A_329 {add = true, strides = array<i32>} : memref<100x64xf32, #tpu.memory_space<vmem>>, vector<1x16xf32>,
        %add3A_330 = arith.addi %mul3A_116, %scan3A_319 : i32
        %get3A_331 = arith.index_cast %add3A_330 : i32 to index
        %get3A_332 = arith.constant 16 : index
        %get3A_333 = tpu.vector_load %arg7[%get3A_331, %get3A_332] {strides = array<i32>} : memref<200x64xf32, #tpu.memory_space<vmem>>, vector<1x16xf32>,
        %get3A_334 = vector.shape_cast %get3A_333 : vector<1x16xf32> to vector<16xf32>
        %swap3A_335 = arith.index_cast %scan3A_319 : i32 to index
        %swap3A_336 = arith.constant 16 : index
        %swap3A_337 = tpu.vector_load %arg9[%swap3A_335, %swap3A_336] {strides = array<i32>} : memref<100x64xf32, #tpu.memory_space<vmem>>, vector<1x16xf32>,
        %swap3A_338 = vector.shape_cast %swap3A_337 : vector<1x16xf32> to vector<16xf32>
        %swap3A_339 = vector.shape_cast %get3A_334 : vector<16xf32> to vector<1x16xf32>
        tpu.vector_store %arg9[%swap3A_335, %swap3A_336], %swap3A_339 {add = true, strides = array<i32>} : memref<100x64xf32, #tpu.memory_space<vmem>>, vector<1x16xf32>,
        %add3A_340 = arith.addi %mul3A_116, %scan3A_319 : i32
        %get3A_341 = arith.index_cast %add3A_340 : i32 to index
        %get3A_342 = arith.constant 32 : index
        %get3A_343 = tpu.vector_load %arg7[%get3A_341, %get3A_342] {strides = array<i32>} : memref<200x64xf32, #tpu.memory_space<vmem>>, vector<1x16xf32>,
        %get3A_344 = vector.shape_cast %get3A_343 : vector<1x16xf32> to vector<16xf32>
        %swap3A_345 = arith.index_cast %scan3A_319 : i32 to index
        %swap3A_346 = arith.constant 32 : index
        %swap3A_347 = tpu.vector_load %arg9[%swap3A_345, %swap3A_346] {strides = array<i32>} : memref<100x64xf32, #tpu.memory_space<vmem>>, vector<1x16xf32>,
        %swap3A_348 = vector.shape_cast %swap3A_347 : vector<1x16xf32> to vector<16xf32>
        %swap3A_349 = vector.shape_cast %get3A_344 : vector<16xf32> to vector<1x16xf32>
        tpu.vector_store %arg9[%swap3A_345, %swap3A_346], %swap3A_349 {add = true, strides = array<i32>} : memref<100x64xf32, #tpu.memory_space<vmem>>, vector<1x16xf32>,
        %add3A_350 = arith.addi %mul3A_116, %scan3A_319 : i32
        %get3A_351 = arith.index_cast %add3A_350 : i32 to index
        %get3A_352 = arith.constant 48 : index
        %get3A_353 = tpu.vector_load %arg7[%get3A_351, %get3A_352] {strides = array<i32>} : memref<200x64xf32, #tpu.memory_space<vmem>>, vector<1x16xf32>,
        %get3A_354 = vector.shape_cast %get3A_353 : vector<1x16xf32> to vector<16xf32>
        %swap3A_355 = arith.index_cast %scan3A_319 : i32 to index
        %swap3A_356 = arith.constant 48 : index
        %swap3A_357 = tpu.vector_load %arg9[%swap3A_355, %swap3A_356] {strides = array<i32>} : memref<100x64xf32, #tpu.memory_space<vmem>>, vector<1x16xf32>,
        %swap3A_358 = vector.shape_cast %swap3A_357 : vector<1x16xf32> to vector<16xf32>
        %swap3A_359 = vector.shape_cast %get3A_354 : vector<16xf32> to vector<1x16xf32>
        tpu.vector_store %arg9[%swap3A_355, %swap3A_356], %swap3A_359 {add = true, strides = array<i32>} : memref<100x64xf32, #tpu.memory_space<vmem>>, vector<1x16xf32>,
      }
      %scan3A_121 = arith.constant 100 : i32
      %dma_wait3A_122 = arith.constant 0 : i32
      %dma_wait3A_123 = arith.constant 0 : i32
      %dma_wait3A_124 = arith.constant 0 : i32
      %dma_wait3A_125 = tpu.memref_slice %arg5[%dma_wait3A_122, %dma_wait3A_123, %dma_wait3A_124] : memref<2048x100x64xf32, #tpu.memory_space<hbm>> -> memref<1x100x64xf32, #tpu.memory_space<hbm>>
      %dma_wait3A_126 = tpu.memref_squeeze %dma_wait3A_125 : memref<1x100x64xf32, #tpu.memory_space<hbm>> -> memref<100x64xf32, #tpu.memory_space<hbm>>
      %dma_wait3A_127 = arith.constant 0 : i32
      %dma_wait3A_128 = arith.constant 0 : i32
      %dma_wait3A_129 = tpu.memref_slice %arg5[%dma_wait3A_122, %dma_wait3A_127, %dma_wait3A_128] : memref<2048x100x64xf32, #tpu.memory_space<hbm>> -> memref<1x100x64xf32, #tpu.memory_space<hbm>>
      %dma_wait3A_130 = tpu.memref_squeeze %dma_wait3A_129 : memref<1x100x64xf32, #tpu.memory_space<hbm>> -> memref<100x64xf32, #tpu.memory_space<hbm>>
      tpu.wait_dma2 semaphore(%arg12 : memref<!tpu.dma_semaphore, #tpu.memory_space<semaphore_mem>>) src(%arg8 : memref<100x64xf32, #tpu.memory_space<vmem>>) dst(%dma_wait3A_130 : memref<100x64xf32, #tpu.memory_space<hbm>>)
      %add3A_131 = arith.constant 1 : i32
      %add3A_132 = arith.addi %add3A_102, %add3A_131 : i32
      %dma_start3A_133 = arith.constant 0 : i32
      %dma_start3A_134 = tpu.memref_slice %arg6[%add3A_132, %dma_start3A_133] : memref<64x100xi32, #tpu.memory_space<vmem>> -> memref<1x100xi32, #tpu.memory_space<vmem>>
      %dma_start3A_135 = tpu.memref_squeeze %dma_start3A_134 : memref<1x100xi32, #tpu.memory_space<vmem>> -> memref<100xi32, #tpu.memory_space<vmem>>
      %dma_start3A_136 = arith.constant 0 : i32
      %dma_start3A_137 = arith.constant 0 : i32
      %dma_start3A_138 = tpu.memref_slice %arg3[%dma_start3A_136, %dma_start3A_137] : memref<1000000x64xf32, #tpu.memory_space<hbm>> -> memref<1000000x64xf32, #tpu.memory_space<hbm>>
      tpu.enqueue_indirect_dma source(%dma_start3A_138 : memref<1000000x64xf32, #tpu.memory_space<hbm>>) target(%arg8 : memref<100x64xf32, #tpu.memory_space<vmem>>) offsets(%dma_start3A_135 : memref<100xi32, #tpu.memory_space<vmem>>) semaphore(%arg10 : memref<!tpu.dma_semaphore, #tpu.memory_space<semaphore_mem>>)
      %add3A_139 = arith.addi %mul3A_2, %add3A_102 : i32
      %dma_start3A_140 = arith.constant 0 : i32
      %dma_start3A_141 = arith.constant 0 : i32
      %dma_start3A_142 = tpu.memref_slice %arg5[%add3A_139, %dma_start3A_140, %dma_start3A_141] : memref<2048x100x64xf32, #tpu.memory_space<hbm>> -> memref<1x100x64xf32, #tpu.memory_space<hbm>>
      %dma_start3A_143 = tpu.memref_squeeze %dma_start3A_142 : memref<1x100x64xf32, #tpu.memory_space<hbm>> -> memref<100x64xf32, #tpu.memory_space<hbm>>
      %dma_start3A_144 = arith.constant 0 : i32
      %dma_start3A_145 = arith.constant 0 : i32
      %dma_start3A_146 = tpu.memref_slice %arg5[%add3A_139, %dma_start3A_144, %dma_start3A_145] : memref<2048x100x64xf32, #tpu.memory_space<hbm>> -> memref<1x100x64xf32, #tpu.memory_space<hbm>>
      %dma_start3A_147 = tpu.memref_squeeze %dma_start3A_146 : memref<1x100x64xf32, #tpu.memory_space<hbm>> -> memref<100x64xf32, #tpu.memory_space<hbm>>
      tpu.enqueue_dma source(%arg9 : memref<100x64xf32, #tpu.memory_space<vmem>>) target(%dma_start3A_147 : memref<100x64xf32, #tpu.memory_space<hbm>>) target_semaphore(%arg13 : memref<!tpu.dma_semaphore, #tpu.memory_space<semaphore_mem>>)
      %add3A_148 = arith.constant 1 : i32
      %add3A_149 = arith.addi %add3A_100, %add3A_148 : i32
      %dma_wait3A_150 = arith.constant 0 : i32
      %dma_wait3A_151 = arith.constant 0 : i32
      %dma_wait3A_152 = arith.constant 0 : i32
      %dma_wait3A_153 = tpu.memref_slice %arg5[%dma_wait3A_150, %dma_wait3A_151, %dma_wait3A_152] : memref<2048x100x64xf32, #tpu.memory_space<hbm>> -> memref<1x100x64xf32, #tpu.memory_space<hbm>>
      %dma_wait3A_154 = tpu.memref_squeeze %dma_wait3A_153 : memref<1x100x64xf32, #tpu.memory_space<hbm>> -> memref<100x64xf32, #tpu.memory_space<hbm>>
      %dma_wait3A_155 = arith.constant 0 : i32
      %dma_wait3A_156 = arith.constant 0 : i32
      %dma_wait3A_157 = tpu.memref_slice %arg5[%dma_wait3A_150, %dma_wait3A_155, %dma_wait3A_156] : memref<2048x100x64xf32, #tpu.memory_space<hbm>> -> memref<1x100x64xf32, #tpu.memory_space<hbm>>
      %dma_wait3A_158 = tpu.memref_squeeze %dma_wait3A_157 : memref<1x100x64xf32, #tpu.memory_space<hbm>> -> memref<100x64xf32, #tpu.memory_space<hbm>>
      tpu.wait_dma2 semaphore(%arg10 : memref<!tpu.dma_semaphore, #tpu.memory_space<semaphore_mem>>) src(%arg8 : memref<100x64xf32, #tpu.memory_space<vmem>>) dst(%dma_wait3A_158 : memref<100x64xf32, #tpu.memory_space<hbm>>)
      %add3A_159 = arith.addi %mul3A_2, %add3A_149 : i32
      %rem3A_160 = arith.constant 2 : i32
      %rem3A_161 = arith.remsi %add3A_159, %rem3A_160 : i32
      %mul3A_162 = arith.constant 100 : i32
      %mul3A_163 = arith.muli %rem3A_161, %mul3A_162 : i32
      %scan3A_164 = arith.constant 0 : i32
      %scan3A_165 = arith.constant 100 : i32
      %scan3A_166 = arith.addi %scan3A_164, %scan3A_165 : i32
      %scan3A_167 = arith.constant 4 : i32
      scf.for %scan3A_195 = %scan3A_164 to %scan3A_166 step %scan3A_167  : i32 {
        %add3A_196 = arith.addi %mul3A_163, %scan3A_195 : i32
        %get3A = arith.index_cast %add3A_196 : i32 to index
        %get3A_197 = arith.constant 0 : index
        %get3A_198 = tpu.vector_load %arg7[%get3A, %get3A_197] {strides = array<i32>} : memref<200x64xf32, #tpu.memory_space<vmem>>, vector<1x16xf32>,
        %get3A_199 = vector.shape_cast %get3A_198 : vector<1x16xf32> to vector<16xf32>
        %swap3A = arith.index_cast %scan3A_195 : i32 to index
        %swap3A_200 = arith.constant 0 : index
        %swap3A_201 = tpu.vector_load %arg8[%swap3A, %swap3A_200] {strides = array<i32>} : memref<100x64xf32, #tpu.memory_space<vmem>>, vector<1x16xf32>,
        %swap3A_202 = vector.shape_cast %swap3A_201 : vector<1x16xf32> to vector<16xf32>
        %swap3A_203 = vector.shape_cast %get3A_199 : vector<16xf32> to vector<1x16xf32>
        tpu.vector_store %arg8[%swap3A, %swap3A_200], %swap3A_203 {add = true, strides = array<i32>} : memref<100x64xf32, #tpu.memory_space<vmem>>, vector<1x16xf32>,
        %add3A_204 = arith.addi %mul3A_163, %scan3A_195 : i32
        %get3A_205 = arith.index_cast %add3A_204 : i32 to index
        %get3A_206 = arith.constant 16 : index
        %get3A_207 = tpu.vector_load %arg7[%get3A_205, %get3A_206] {strides = array<i32>} : memref<200x64xf32, #tpu.memory_space<vmem>>, vector<1x16xf32>,
        %get3A_208 = vector.shape_cast %get3A_207 : vector<1x16xf32> to vector<16xf32>
        %swap3A_209 = arith.index_cast %scan3A_195 : i32 to index
        %swap3A_210 = arith.constant 16 : index
        %swap3A_211 = tpu.vector_load %arg8[%swap3A_209, %swap3A_210] {strides = array<i32>} : memref<100x64xf32, #tpu.memory_space<vmem>>, vector<1x16xf32>,
        %swap3A_212 = vector.shape_cast %swap3A_211 : vector<1x16xf32> to vector<16xf32>
        %swap3A_213 = vector.shape_cast %get3A_208 : vector<16xf32> to vector<1x16xf32>
        tpu.vector_store %arg8[%swap3A_209, %swap3A_210], %swap3A_213 {add = true, strides = array<i32>} : memref<100x64xf32, #tpu.memory_space<vmem>>, vector<1x16xf32>,
        %add3A_214 = arith.addi %mul3A_163, %scan3A_195 : i32
        %get3A_215 = arith.index_cast %add3A_214 : i32 to index
        %get3A_216 = arith.constant 32 : index
        %get3A_217 = tpu.vector_load %arg7[%get3A_215, %get3A_216] {strides = array<i32>} : memref<200x64xf32, #tpu.memory_space<vmem>>, vector<1x16xf32>,
        %get3A_218 = vector.shape_cast %get3A_217 : vector<1x16xf32> to vector<16xf32>
        %swap3A_219 = arith.index_cast %scan3A_195 : i32 to index
        %swap3A_220 = arith.constant 32 : index
        %swap3A_221 = tpu.vector_load %arg8[%swap3A_219, %swap3A_220] {strides = array<i32>} : memref<100x64xf32, #tpu.memory_space<vmem>>, vector<1x16xf32>,
        %swap3A_222 = vector.shape_cast %swap3A_221 : vector<1x16xf32> to vector<16xf32>
        %swap3A_223 = vector.shape_cast %get3A_218 : vector<16xf32> to vector<1x16xf32>
        tpu.vector_store %arg8[%swap3A_219, %swap3A_220], %swap3A_223 {add = true, strides = array<i32>} : memref<100x64xf32, #tpu.memory_space<vmem>>, vector<1x16xf32>,
        %add3A_224 = arith.addi %mul3A_163, %scan3A_195 : i32
        %get3A_225 = arith.index_cast %add3A_224 : i32 to index
        %get3A_226 = arith.constant 48 : index
        %get3A_227 = tpu.vector_load %arg7[%get3A_225, %get3A_226] {strides = array<i32>} : memref<200x64xf32, #tpu.memory_space<vmem>>, vector<1x16xf32>,
        %get3A_228 = vector.shape_cast %get3A_227 : vector<1x16xf32> to vector<16xf32>
        %swap3A_229 = arith.index_cast %scan3A_195 : i32 to index
        %swap3A_230 = arith.constant 48 : index
        %swap3A_231 = tpu.vector_load %arg8[%swap3A_229, %swap3A_230] {strides = array<i32>} : memref<100x64xf32, #tpu.memory_space<vmem>>, vector<1x16xf32>,
        %swap3A_232 = vector.shape_cast %swap3A_231 : vector<1x16xf32> to vector<16xf32>
        %swap3A_233 = vector.shape_cast %get3A_228 : vector<16xf32> to vector<1x16xf32>
        tpu.vector_store %arg8[%swap3A_229, %swap3A_230], %swap3A_233 {add = true, strides = array<i32>} : memref<100x64xf32, #tpu.memory_space<vmem>>, vector<1x16xf32>,
        %scan3A_234 = arith.constant 1 : i32
        %scan3A_235 = arith.addi %scan3A_195, %scan3A_234 : i32
        %add3A_236 = arith.addi %mul3A_163, %scan3A_235 : i32
        %get3A_237 = arith.index_cast %add3A_236 : i32 to index
        %get3A_238 = arith.constant 0 : index
        %get3A_239 = tpu.vector_load %arg7[%get3A_237, %get3A_238] {strides = array<i32>} : memref<200x64xf32, #tpu.memory_space<vmem>>, vector<1x16xf32>,
        %get3A_240 = vector.shape_cast %get3A_239 : vector<1x16xf32> to vector<16xf32>
        %swap3A_241 = arith.index_cast %scan3A_235 : i32 to index
        %swap3A_242 = arith.constant 0 : index
        %swap3A_243 = tpu.vector_load %arg8[%swap3A_241, %swap3A_242] {strides = array<i32>} : memref<100x64xf32, #tpu.memory_space<vmem>>, vector<1x16xf32>,
        %swap3A_244 = vector.shape_cast %swap3A_243 : vector<1x16xf32> to vector<16xf32>
        %swap3A_245 = vector.shape_cast %get3A_240 : vector<16xf32> to vector<1x16xf32>
        tpu.vector_store %arg8[%swap3A_241, %swap3A_242], %swap3A_245 {add = true, strides = array<i32>} : memref<100x64xf32, #tpu.memory_space<vmem>>, vector<1x16xf32>,
        %add3A_246 = arith.addi %mul3A_163, %scan3A_235 : i32
        %get3A_247 = arith.index_cast %add3A_246 : i32 to index
        %get3A_248 = arith.constant 16 : index
        %get3A_249 = tpu.vector_load %arg7[%get3A_247, %get3A_248] {strides = array<i32>} : memref<200x64xf32, #tpu.memory_space<vmem>>, vector<1x16xf32>,
        %get3A_250 = vector.shape_cast %get3A_249 : vector<1x16xf32> to vector<16xf32>
        %swap3A_251 = arith.index_cast %scan3A_235 : i32 to index
        %swap3A_252 = arith.constant 16 : index
        %swap3A_253 = tpu.vector_load %arg8[%swap3A_251, %swap3A_252] {strides = array<i32>} : memref<100x64xf32, #tpu.memory_space<vmem>>, vector<1x16xf32>,
        %swap3A_254 = vector.shape_cast %swap3A_253 : vector<1x16xf32> to vector<16xf32>
        %swap3A_255 = vector.shape_cast %get3A_250 : vector<16xf32> to vector<1x16xf32>
        tpu.vector_store %arg8[%swap3A_251, %swap3A_252], %swap3A_255 {add = true, strides = array<i32>} : memref<100x64xf32, #tpu.memory_space<vmem>>, vector<1x16xf32>,
        %add3A_256 = arith.addi %mul3A_163, %scan3A_235 : i32
        %get3A_257 = arith.index_cast %add3A_256 : i32 to index
        %get3A_258 = arith.constant 32 : index
        %get3A_259 = tpu.vector_load %arg7[%get3A_257, %get3A_258] {strides = array<i32>} : memref<200x64xf32, #tpu.memory_space<vmem>>, vector<1x16xf32>,
        %get3A_260 = vector.shape_cast %get3A_259 : vector<1x16xf32> to vector<16xf32>
        %swap3A_261 = arith.index_cast %scan3A_235 : i32 to index
        %swap3A_262 = arith.constant 32 : index
        %swap3A_263 = tpu.vector_load %arg8[%swap3A_261, %swap3A_262] {strides = array<i32>} : memref<100x64xf32, #tpu.memory_space<vmem>>, vector<1x16xf32>,
        %swap3A_264 = vector.shape_cast %swap3A_263 : vector<1x16xf32> to vector<16xf32>
        %swap3A_265 = vector.shape_cast %get3A_260 : vector<16xf32> to vector<1x16xf32>
        tpu.vector_store %arg8[%swap3A_261, %swap3A_262], %swap3A_265 {add = true, strides = array<i32>} : memref<100x64xf32, #tpu.memory_space<vmem>>, vector<1x16xf32>,
        %add3A_266 = arith.addi %mul3A_163, %scan3A_235 : i32
        %get3A_267 = arith.index_cast %add3A_266 : i32 to index
        %get3A_268 = arith.constant 48 : index
        %get3A_269 = tpu.vector_load %arg7[%get3A_267, %get3A_268] {strides = array<i32>} : memref<200x64xf32, #tpu.memory_space<vmem>>, vector<1x16xf32>,
        %get3A_270 = vector.shape_cast %get3A_269 : vector<1x16xf32> to vector<16xf32>
        %swap3A_271 = arith.index_cast %scan3A_235 : i32 to index
        %swap3A_272 = arith.constant 48 : index
        %swap3A_273 = tpu.vector_load %arg8[%swap3A_271, %swap3A_272] {strides = array<i32>} : memref<100x64xf32, #tpu.memory_space<vmem>>, vector<1x16xf32>,
        %swap3A_274 = vector.shape_cast %swap3A_273 : vector<1x16xf32> to vector<16xf32>
        %swap3A_275 = vector.shape_cast %get3A_270 : vector<16xf32> to vector<1x16xf32>
        tpu.vector_store %arg8[%swap3A_271, %swap3A_272], %swap3A_275 {add = true, strides = array<i32>} : memref<100x64xf32, #tpu.memory_space<vmem>>, vector<1x16xf32>,
        %scan3A_276 = arith.constant 2 : i32
        %scan3A_277 = arith.addi %scan3A_195, %scan3A_276 : i32
        %add3A_278 = arith.addi %mul3A_163, %scan3A_277 : i32
        %get3A_279 = arith.index_cast %add3A_278 : i32 to index
        %get3A_280 = arith.constant 0 : index
        %get3A_281 = tpu.vector_load %arg7[%get3A_279, %get3A_280] {strides = array<i32>} : memref<200x64xf32, #tpu.memory_space<vmem>>, vector<1x16xf32>,
        %get3A_282 = vector.shape_cast %get3A_281 : vector<1x16xf32> to vector<16xf32>
        %swap3A_283 = arith.index_cast %scan3A_277 : i32 to index
        %swap3A_284 = arith.constant 0 : index
        %swap3A_285 = tpu.vector_load %arg8[%swap3A_283, %swap3A_284] {strides = array<i32>} : memref<100x64xf32, #tpu.memory_space<vmem>>, vector<1x16xf32>,
        %swap3A_286 = vector.shape_cast %swap3A_285 : vector<1x16xf32> to vector<16xf32>
        %swap3A_287 = vector.shape_cast %get3A_282 : vector<16xf32> to vector<1x16xf32>
        tpu.vector_store %arg8[%swap3A_283, %swap3A_284], %swap3A_287 {add = true, strides = array<i32>} : memref<100x64xf32, #tpu.memory_space<vmem>>, vector<1x16xf32>,
        %add3A_288 = arith.addi %mul3A_163, %scan3A_277 : i32
        %get3A_289 = arith.index_cast %add3A_288 : i32 to index
        %get3A_290 = arith.constant 16 : index
        %get3A_291 = tpu.vector_load %arg7[%get3A_289, %get3A_290] {strides = array<i32>} : memref<200x64xf32, #tpu.memory_space<vmem>>, vector<1x16xf32>,
        %get3A_292 = vector.shape_cast %get3A_291 : vector<1x16xf32> to vector<16xf32>
        %swap3A_293 = arith.index_cast %scan3A_277 : i32 to index
        %swap3A_294 = arith.constant 16 : index
        %swap3A_295 = tpu.vector_load %arg8[%swap3A_293, %swap3A_294] {strides = array<i32>} : memref<100x64xf32, #tpu.memory_space<vmem>>, vector<1x16xf32>,
        %swap3A_296 = vector.shape_cast %swap3A_295 : vector<1x16xf32> to vector<16xf32>
        %swap3A_297 = vector.shape_cast %get3A_292 : vector<16xf32> to vector<1x16xf32>
        tpu.vector_store %arg8[%swap3A_293, %swap3A_294], %swap3A_297 {add = true, strides = array<i32>} : memref<100x64xf32, #tpu.memory_space<vmem>>, vector<1x16xf32>,
        %add3A_298 = arith.addi %mul3A_163, %scan3A_277 : i32
        %get3A_299 = arith.index_cast %add3A_298 : i32 to index
        %get3A_300 = arith.constant 32 : index
        %get3A_301 = tpu.vector_load %arg7[%get3A_299, %get3A_300] {strides = array<i32>} : memref<200x64xf32, #tpu.memory_space<vmem>>, vector<1x16xf32>,
        %get3A_302 = vector.shape_cast %get3A_301 : vector<1x16xf32> to vector<16xf32>
        %swap3A_303 = arith.index_cast %scan3A_277 : i32 to index
        %swap3A_304 = arith.constant 32 : index
        %swap3A_305 = tpu.vector_load %arg8[%swap3A_303, %swap3A_304] {strides = array<i32>} : memref<100x64xf32, #tpu.memory_space<vmem>>, vector<1x16xf32>,
        %swap3A_306 = vector.shape_cast %swap3A_305 : vector<1x16xf32> to vector<16xf32>
        %swap3A_307 = vector.shape_cast %get3A_302 : vector<16xf32> to vector<1x16xf32>
        tpu.vector_store %arg8[%swap3A_303, %swap3A_304], %swap3A_307 {add = true, strides = array<i32>} : memref<100x64xf32, #tpu.memory_space<vmem>>, vector<1x16xf32>,
        %add3A_308 = arith.addi %mul3A_163, %scan3A_277 : i32
        %get3A_309 = arith.index_cast %add3A_308 : i32 to index
        %get3A_310 = arith.constant 48 : index
        %get3A_311 = tpu.vector_load %arg7[%get3A_309, %get3A_310] {strides = array<i32>} : memref<200x64xf32, #tpu.memory_space<vmem>>, vector<1x16xf32>,
        %get3A_312 = vector.shape_cast %get3A_311 : vector<1x16xf32> to vector<16xf32>
        %swap3A_313 = arith.index_cast %scan3A_277 : i32 to index
        %swap3A_314 = arith.constant 48 : index
        %swap3A_315 = tpu.vector_load %arg8[%swap3A_313, %swap3A_314] {strides = array<i32>} : memref<100x64xf32, #tpu.memory_space<vmem>>, vector<1x16xf32>,
        %swap3A_316 = vector.shape_cast %swap3A_315 : vector<1x16xf32> to vector<16xf32>
        %swap3A_317 = vector.shape_cast %get3A_312 : vector<16xf32> to vector<1x16xf32>
        tpu.vector_store %arg8[%swap3A_313, %swap3A_314], %swap3A_317 {add = true, strides = array<i32>} : memref<100x64xf32, #tpu.memory_space<vmem>>, vector<1x16xf32>,
        %scan3A_318 = arith.constant 3 : i32
        %scan3A_319 = arith.addi %scan3A_195, %scan3A_318 : i32
        %add3A_320 = arith.addi %mul3A_163, %scan3A_319 : i32
        %get3A_321 = arith.index_cast %add3A_320 : i32 to index
        %get3A_322 = arith.constant 0 : index
        %get3A_323 = tpu.vector_load %arg7[%get3A_321, %get3A_322] {strides = array<i32>} : memref<200x64xf32, #tpu.memory_space<vmem>>, vector<1x16xf32>,
        %get3A_324 = vector.shape_cast %get3A_323 : vector<1x16xf32> to vector<16xf32>
        %swap3A_325 = arith.index_cast %scan3A_319 : i32 to index
        %swap3A_326 = arith.constant 0 : index
        %swap3A_327 = tpu.vector_load %arg8[%swap3A_325, %swap3A_326] {strides = array<i32>} : memref<100x64xf32, #tpu.memory_space<vmem>>, vector<1x16xf32>,
        %swap3A_328 = vector.shape_cast %swap3A_327 : vector<1x16xf32> to vector<16xf32>
        %swap3A_329 = vector.shape_cast %get3A_324 : vector<16xf32> to vector<1x16xf32>
        tpu.vector_store %arg8[%swap3A_325, %swap3A_326], %swap3A_329 {add = true, strides = array<i32>} : memref<100x64xf32, #tpu.memory_space<vmem>>, vector<1x16xf32>,
        %add3A_330 = arith.addi %mul3A_163, %scan3A_319 : i32
        %get3A_331 = arith.index_cast %add3A_330 : i32 to index
        %get3A_332 = arith.constant 16 : index
        %get3A_333 = tpu.vector_load %arg7[%get3A_331, %get3A_332] {strides = array<i32>} : memref<200x64xf32, #tpu.memory_space<vmem>>, vector<1x16xf32>,
        %get3A_334 = vector.shape_cast %get3A_333 : vector<1x16xf32> to vector<16xf32>
        %swap3A_335 = arith.index_cast %scan3A_319 : i32 to index
        %swap3A_336 = arith.constant 16 : index
        %swap3A_337 = tpu.vector_load %arg8[%swap3A_335, %swap3A_336] {strides = array<i32>} : memref<100x64xf32, #tpu.memory_space<vmem>>, vector<1x16xf32>,
        %swap3A_338 = vector.shape_cast %swap3A_337 : vector<1x16xf32> to vector<16xf32>
        %swap3A_339 = vector.shape_cast %get3A_334 : vector<16xf32> to vector<1x16xf32>
        tpu.vector_store %arg8[%swap3A_335, %swap3A_336], %swap3A_339 {add = true, strides = array<i32>} : memref<100x64xf32, #tpu.memory_space<vmem>>, vector<1x16xf32>,
        %add3A_340 = arith.addi %mul3A_163, %scan3A_319 : i32
        %get3A_341 = arith.index_cast %add3A_340 : i32 to index
        %get3A_342 = arith.constant 32 : index
        %get3A_343 = tpu.vector_load %arg7[%get3A_341, %get3A_342] {strides = array<i32>} : memref<200x64xf32, #tpu.memory_space<vmem>>, vector<1x16xf32>,
        %get3A_344 = vector.shape_cast %get3A_343 : vector<1x16xf32> to vector<16xf32>
        %swap3A_345 = arith.index_cast %scan3A_319 : i32 to index
        %swap3A_346 = arith.constant 32 : index
        %swap3A_347 = tpu.vector_load %arg8[%swap3A_345, %swap3A_346] {strides = array<i32>} : memref<100x64xf32, #tpu.memory_space<vmem>>, vector<1x16xf32>,
        %swap3A_348 = vector.shape_cast %swap3A_347 : vector<1x16xf32> to vector<16xf32>
        %swap3A_349 = vector.shape_cast %get3A_344 : vector<16xf32> to vector<1x16xf32>
        tpu.vector_store %arg8[%swap3A_345, %swap3A_346], %swap3A_349 {add = true, strides = array<i32>} : memref<100x64xf32, #tpu.memory_space<vmem>>, vector<1x16xf32>,
        %add3A_350 = arith.addi %mul3A_163, %scan3A_319 : i32
        %get3A_351 = arith.index_cast %add3A_350 : i32 to index
        %get3A_352 = arith.constant 48 : index
        %get3A_353 = tpu.vector_load %arg7[%get3A_351, %get3A_352] {strides = array<i32>} : memref<200x64xf32, #tpu.memory_space<vmem>>, vector<1x16xf32>,
        %get3A_354 = vector.shape_cast %get3A_353 : vector<1x16xf32> to vector<16xf32>
        %swap3A_355 = arith.index_cast %scan3A_319 : i32 to index
        %swap3A_356 = arith.constant 48 : index
        %swap3A_357 = tpu.vector_load %arg8[%swap3A_355, %swap3A_356] {strides = array<i32>} : memref<100x64xf32, #tpu.memory_space<vmem>>, vector<1x16xf32>,
        %swap3A_358 = vector.shape_cast %swap3A_357 : vector<1x16xf32> to vector<16xf32>
        %swap3A_359 = vector.shape_cast %get3A_354 : vector<16xf32> to vector<1x16xf32>
        tpu.vector_store %arg8[%swap3A_355, %swap3A_356], %swap3A_359 {add = true, strides = array<i32>} : memref<100x64xf32, #tpu.memory_space<vmem>>, vector<1x16xf32>,
      }
      %scan3A_168 = arith.constant 100 : i32
      %dma_wait3A_169 = arith.constant 0 : i32
      %dma_wait3A_170 = arith.constant 0 : i32
      %dma_wait3A_171 = arith.constant 0 : i32
      %dma_wait3A_172 = tpu.memref_slice %arg5[%dma_wait3A_169, %dma_wait3A_170, %dma_wait3A_171] : memref<2048x100x64xf32, #tpu.memory_space<hbm>> -> memref<1x100x64xf32, #tpu.memory_space<hbm>>
      %dma_wait3A_173 = tpu.memref_squeeze %dma_wait3A_172 : memref<1x100x64xf32, #tpu.memory_space<hbm>> -> memref<100x64xf32, #tpu.memory_space<hbm>>
      %dma_wait3A_174 = arith.constant 0 : i32
      %dma_wait3A_175 = arith.constant 0 : i32
      %dma_wait3A_176 = tpu.memref_slice %arg5[%dma_wait3A_169, %dma_wait3A_174, %dma_wait3A_175] : memref<2048x100x64xf32, #tpu.memory_space<hbm>> -> memref<1x100x64xf32, #tpu.memory_space<hbm>>
      %dma_wait3A_177 = tpu.memref_squeeze %dma_wait3A_176 : memref<1x100x64xf32, #tpu.memory_space<hbm>> -> memref<100x64xf32, #tpu.memory_space<hbm>>
      tpu.wait_dma2 semaphore(%arg13 : memref<!tpu.dma_semaphore, #tpu.memory_space<semaphore_mem>>) src(%arg9 : memref<100x64xf32, #tpu.memory_space<vmem>>) dst(%dma_wait3A_177 : memref<100x64xf32, #tpu.memory_space<hbm>>)
      %add3A_178 = arith.constant 1 : i32
      %add3A_179 = arith.addi %add3A_149, %add3A_178 : i32
      %dma_start3A_180 = arith.constant 0 : i32
      %dma_start3A_181 = tpu.memref_slice %arg6[%add3A_179, %dma_start3A_180] : memref<64x100xi32, #tpu.memory_space<vmem>> -> memref<1x100xi32, #tpu.memory_space<vmem>>
      %dma_start3A_182 = tpu.memref_squeeze %dma_start3A_181 : memref<1x100xi32, #tpu.memory_space<vmem>> -> memref<100xi32, #tpu.memory_space<vmem>>
      %dma_start3A_183 = arith.constant 0 : i32
      %dma_start3A_184 = arith.constant 0 : i32
      %dma_start3A_185 = tpu.memref_slice %arg3[%dma_start3A_183, %dma_start3A_184] : memref<1000000x64xf32, #tpu.memory_space<hbm>> -> memref<1000000x64xf32, #tpu.memory_space<hbm>>
      tpu.enqueue_indirect_dma source(%dma_start3A_185 : memref<1000000x64xf32, #tpu.memory_space<hbm>>) target(%arg9 : memref<100x64xf32, #tpu.memory_space<vmem>>) offsets(%dma_start3A_182 : memref<100xi32, #tpu.memory_space<vmem>>) semaphore(%arg11 : memref<!tpu.dma_semaphore, #tpu.memory_space<semaphore_mem>>)
      %add3A_186 = arith.addi %mul3A_2, %add3A_149 : i32
      %dma_start3A_187 = arith.constant 0 : i32
      %dma_start3A_188 = arith.constant 0 : i32
      %dma_start3A_189 = tpu.memref_slice %arg5[%add3A_186, %dma_start3A_187, %dma_start3A_188] : memref<2048x100x64xf32, #tpu.memory_space<hbm>> -> memref<1x100x64xf32, #tpu.memory_space<hbm>>
      %dma_start3A_190 = tpu.memref_squeeze %dma_start3A_189 : memref<1x100x64xf32, #tpu.memory_space<hbm>> -> memref<100x64xf32, #tpu.memory_space<hbm>>
      %dma_start3A_191 = arith.constant 0 : i32
      %dma_start3A_192 = arith.constant 0 : i32
      %dma_start3A_193 = tpu.memref_slice %arg5[%add3A_186, %dma_start3A_191, %dma_start3A_192] : memref<2048x100x64xf32, #tpu.memory_space<hbm>> -> memref<1x100x64xf32, #tpu.memory_space<hbm>>
      %dma_start3A_194 = tpu.memref_squeeze %dma_start3A_193 : memref<1x100x64xf32, #tpu.memory_space<hbm>> -> memref<100x64xf32, #tpu.memory_space<hbm>>
      tpu.enqueue_dma source(%arg8 : memref<100x64xf32, #tpu.memory_space<vmem>>) target(%dma_start3A_194 : memref<100x64xf32, #tpu.memory_space<hbm>>) target_semaphore(%arg12 : memref<!tpu.dma_semaphore, #tpu.memory_space<semaphore_mem>>)
    }
    %scan3A_47 = arith.constant 31 : i32
    %dma_wait3A_48 = arith.constant 0 : i32
    %dma_wait3A_49 = arith.constant 0 : i32
    %dma_wait3A_50 = arith.constant 0 : i32
    %dma_wait3A_51 = tpu.memref_slice %arg5[%dma_wait3A_48, %dma_wait3A_49, %dma_wait3A_50] : memref<2048x100x64xf32, #tpu.memory_space<hbm>> -> memref<1x100x64xf32, #tpu.memory_space<hbm>>
    %dma_wait3A_52 = tpu.memref_squeeze %dma_wait3A_51 : memref<1x100x64xf32, #tpu.memory_space<hbm>> -> memref<100x64xf32, #tpu.memory_space<hbm>>
    %dma_wait3A_53 = arith.constant 0 : i32
    %dma_wait3A_54 = arith.constant 0 : i32
    %dma_wait3A_55 = tpu.memref_slice %arg5[%dma_wait3A_48, %dma_wait3A_53, %dma_wait3A_54] : memref<2048x100x64xf32, #tpu.memory_space<hbm>> -> memref<1x100x64xf32, #tpu.memory_space<hbm>>
    %dma_wait3A_56 = tpu.memref_squeeze %dma_wait3A_55 : memref<1x100x64xf32, #tpu.memory_space<hbm>> -> memref<100x64xf32, #tpu.memory_space<hbm>>
    tpu.wait_dma2 semaphore(%arg11 : memref<!tpu.dma_semaphore, #tpu.memory_space<semaphore_mem>>) src(%arg9 : memref<100x64xf32, #tpu.memory_space<vmem>>) dst(%dma_wait3A_56 : memref<100x64xf32, #tpu.memory_space<hbm>>)
    %add3A_57 = arith.constant 63 : i32
    %add3A_58 = arith.addi %mul3A_2, %add3A_57 : i32
    %rem3A_59 = arith.constant 2 : i32
    %rem3A_60 = arith.remsi %add3A_58, %rem3A_59 : i32
    %mul3A_61 = arith.constant 100 : i32
    %mul3A_62 = arith.muli %rem3A_60, %mul3A_61 : i32
    %scan3A_63 = arith.constant 0 : i32
    %scan3A_64 = arith.constant 100 : i32
    %scan3A_65 = arith.addi %scan3A_63, %scan3A_64 : i32
    %scan3A_66 = arith.constant 4 : i32
    scf.for %scan3A_96 = %scan3A_63 to %scan3A_65 step %scan3A_66  : i32 {
      %add3A_97 = arith.addi %mul3A_62, %scan3A_96 : i32
      %get3A = arith.index_cast %add3A_97 : i32 to index
      %get3A_98 = arith.constant 0 : index
      %get3A_99 = tpu.vector_load %arg7[%get3A, %get3A_98] {strides = array<i32>} : memref<200x64xf32, #tpu.memory_space<vmem>>, vector<1x16xf32>,
      %get3A_100 = vector.shape_cast %get3A_99 : vector<1x16xf32> to vector<16xf32>
      %swap3A = arith.index_cast %scan3A_96 : i32 to index
      %swap3A_101 = arith.constant 0 : index
      %swap3A_102 = tpu.vector_load %arg9[%swap3A, %swap3A_101] {strides = array<i32>} : memref<100x64xf32, #tpu.memory_space<vmem>>, vector<1x16xf32>,
      %swap3A_103 = vector.shape_cast %swap3A_102 : vector<1x16xf32> to vector<16xf32>
      %swap3A_104 = vector.shape_cast %get3A_100 : vector<16xf32> to vector<1x16xf32>
      tpu.vector_store %arg9[%swap3A, %swap3A_101], %swap3A_104 {add = true, strides = array<i32>} : memref<100x64xf32, #tpu.memory_space<vmem>>, vector<1x16xf32>,
      %add3A_105 = arith.addi %mul3A_62, %scan3A_96 : i32
      %get3A_106 = arith.index_cast %add3A_105 : i32 to index
      %get3A_107 = arith.constant 16 : index
      %get3A_108 = tpu.vector_load %arg7[%get3A_106, %get3A_107] {strides = array<i32>} : memref<200x64xf32, #tpu.memory_space<vmem>>, vector<1x16xf32>,
      %get3A_109 = vector.shape_cast %get3A_108 : vector<1x16xf32> to vector<16xf32>
      %swap3A_110 = arith.index_cast %scan3A_96 : i32 to index
      %swap3A_111 = arith.constant 16 : index
      %swap3A_112 = tpu.vector_load %arg9[%swap3A_110, %swap3A_111] {strides = array<i32>} : memref<100x64xf32, #tpu.memory_space<vmem>>, vector<1x16xf32>,
      %swap3A_113 = vector.shape_cast %swap3A_112 : vector<1x16xf32> to vector<16xf32>
      %swap3A_114 = vector.shape_cast %get3A_109 : vector<16xf32> to vector<1x16xf32>
      tpu.vector_store %arg9[%swap3A_110, %swap3A_111], %swap3A_114 {add = true, strides = array<i32>} : memref<100x64xf32, #tpu.memory_space<vmem>>, vector<1x16xf32>,
      %add3A_115 = arith.addi %mul3A_62, %scan3A_96 : i32
      %get3A_116 = arith.index_cast %add3A_115 : i32 to index
      %get3A_117 = arith.constant 32 : index
      %get3A_118 = tpu.vector_load %arg7[%get3A_116, %get3A_117] {strides = array<i32>} : memref<200x64xf32, #tpu.memory_space<vmem>>, vector<1x16xf32>,
      %get3A_119 = vector.shape_cast %get3A_118 : vector<1x16xf32> to vector<16xf32>
      %swap3A_120 = arith.index_cast %scan3A_96 : i32 to index
      %swap3A_121 = arith.constant 32 : index
      %swap3A_122 = tpu.vector_load %arg9[%swap3A_120, %swap3A_121] {strides = array<i32>} : memref<100x64xf32, #tpu.memory_space<vmem>>, vector<1x16xf32>,
      %swap3A_123 = vector.shape_cast %swap3A_122 : vector<1x16xf32> to vector<16xf32>
      %swap3A_124 = vector.shape_cast %get3A_119 : vector<16xf32> to vector<1x16xf32>
      tpu.vector_store %arg9[%swap3A_120, %swap3A_121], %swap3A_124 {add = true, strides = array<i32>} : memref<100x64xf32, #tpu.memory_space<vmem>>, vector<1x16xf32>,
      %add3A_125 = arith.addi %mul3A_62, %scan3A_96 : i32
      %get3A_126 = arith.index_cast %add3A_125 : i32 to index
      %get3A_127 = arith.constant 48 : index
      %get3A_128 = tpu.vector_load %arg7[%get3A_126, %get3A_127] {strides = array<i32>} : memref<200x64xf32, #tpu.memory_space<vmem>>, vector<1x16xf32>,
      %get3A_129 = vector.shape_cast %get3A_128 : vector<1x16xf32> to vector<16xf32>
      %swap3A_130 = arith.index_cast %scan3A_96 : i32 to index
      %swap3A_131 = arith.constant 48 : index
      %swap3A_132 = tpu.vector_load %arg9[%swap3A_130, %swap3A_131] {strides = array<i32>} : memref<100x64xf32, #tpu.memory_space<vmem>>, vector<1x16xf32>,
      %swap3A_133 = vector.shape_cast %swap3A_132 : vector<1x16xf32> to vector<16xf32>
      %swap3A_134 = vector.shape_cast %get3A_129 : vector<16xf32> to vector<1x16xf32>
      tpu.vector_store %arg9[%swap3A_130, %swap3A_131], %swap3A_134 {add = true, strides = array<i32>} : memref<100x64xf32, #tpu.memory_space<vmem>>, vector<1x16xf32>,
      %scan3A_135 = arith.constant 1 : i32
      %scan3A_136 = arith.addi %scan3A_96, %scan3A_135 : i32
      %add3A_137 = arith.addi %mul3A_62, %scan3A_136 : i32
      %get3A_138 = arith.index_cast %add3A_137 : i32 to index
      %get3A_139 = arith.constant 0 : index
      %get3A_140 = tpu.vector_load %arg7[%get3A_138, %get3A_139] {strides = array<i32>} : memref<200x64xf32, #tpu.memory_space<vmem>>, vector<1x16xf32>,
      %get3A_141 = vector.shape_cast %get3A_140 : vector<1x16xf32> to vector<16xf32>
      %swap3A_142 = arith.index_cast %scan3A_136 : i32 to index
      %swap3A_143 = arith.constant 0 : index
      %swap3A_144 = tpu.vector_load %arg9[%swap3A_142, %swap3A_143] {strides = array<i32>} : memref<100x64xf32, #tpu.memory_space<vmem>>, vector<1x16xf32>,
      %swap3A_145 = vector.shape_cast %swap3A_144 : vector<1x16xf32> to vector<16xf32>
      %swap3A_146 = vector.shape_cast %get3A_141 : vector<16xf32> to vector<1x16xf32>
      tpu.vector_store %arg9[%swap3A_142, %swap3A_143], %swap3A_146 {add = true, strides = array<i32>} : memref<100x64xf32, #tpu.memory_space<vmem>>, vector<1x16xf32>,
      %add3A_147 = arith.addi %mul3A_62, %scan3A_136 : i32
      %get3A_148 = arith.index_cast %add3A_147 : i32 to index
      %get3A_149 = arith.constant 16 : index
      %get3A_150 = tpu.vector_load %arg7[%get3A_148, %get3A_149] {strides = array<i32>} : memref<200x64xf32, #tpu.memory_space<vmem>>, vector<1x16xf32>,
      %get3A_151 = vector.shape_cast %get3A_150 : vector<1x16xf32> to vector<16xf32>
      %swap3A_152 = arith.index_cast %scan3A_136 : i32 to index
      %swap3A_153 = arith.constant 16 : index
      %swap3A_154 = tpu.vector_load %arg9[%swap3A_152, %swap3A_153] {strides = array<i32>} : memref<100x64xf32, #tpu.memory_space<vmem>>, vector<1x16xf32>,
      %swap3A_155 = vector.shape_cast %swap3A_154 : vector<1x16xf32> to vector<16xf32>
      %swap3A_156 = vector.shape_cast %get3A_151 : vector<16xf32> to vector<1x16xf32>
      tpu.vector_store %arg9[%swap3A_152, %swap3A_153], %swap3A_156 {add = true, strides = array<i32>} : memref<100x64xf32, #tpu.memory_space<vmem>>, vector<1x16xf32>,
      %add3A_157 = arith.addi %mul3A_62, %scan3A_136 : i32
      %get3A_158 = arith.index_cast %add3A_157 : i32 to index
      %get3A_159 = arith.constant 32 : index
      %get3A_160 = tpu.vector_load %arg7[%get3A_158, %get3A_159] {strides = array<i32>} : memref<200x64xf32, #tpu.memory_space<vmem>>, vector<1x16xf32>,
      %get3A_161 = vector.shape_cast %get3A_160 : vector<1x16xf32> to vector<16xf32>
      %swap3A_162 = arith.index_cast %scan3A_136 : i32 to index
      %swap3A_163 = arith.constant 32 : index
      %swap3A_164 = tpu.vector_load %arg9[%swap3A_162, %swap3A_163] {strides = array<i32>} : memref<100x64xf32, #tpu.memory_space<vmem>>, vector<1x16xf32>,
      %swap3A_165 = vector.shape_cast %swap3A_164 : vector<1x16xf32> to vector<16xf32>
      %swap3A_166 = vector.shape_cast %get3A_161 : vector<16xf32> to vector<1x16xf32>
      tpu.vector_store %arg9[%swap3A_162, %swap3A_163], %swap3A_166 {add = true, strides = array<i32>} : memref<100x64xf32, #tpu.memory_space<vmem>>, vector<1x16xf32>,
      %add3A_167 = arith.addi %mul3A_62, %scan3A_136 : i32
      %get3A_168 = arith.index_cast %add3A_167 : i32 to index
      %get3A_169 = arith.constant 48 : index
      %get3A_170 = tpu.vector_load %arg7[%get3A_168, %get3A_169] {strides = array<i32>} : memref<200x64xf32, #tpu.memory_space<vmem>>, vector<1x16xf32>,
      %get3A_171 = vector.shape_cast %get3A_170 : vector<1x16xf32> to vector<16xf32>
      %swap3A_172 = arith.index_cast %scan3A_136 : i32 to index
      %swap3A_173 = arith.constant 48 : index
      %swap3A_174 = tpu.vector_load %arg9[%swap3A_172, %swap3A_173] {strides = array<i32>} : memref<100x64xf32, #tpu.memory_space<vmem>>, vector<1x16xf32>,
      %swap3A_175 = vector.shape_cast %swap3A_174 : vector<1x16xf32> to vector<16xf32>
      %swap3A_176 = vector.shape_cast %get3A_171 : vector<16xf32> to vector<1x16xf32>
      tpu.vector_store %arg9[%swap3A_172, %swap3A_173], %swap3A_176 {add = true, strides = array<i32>} : memref<100x64xf32, #tpu.memory_space<vmem>>, vector<1x16xf32>,
      %scan3A_177 = arith.constant 2 : i32
      %scan3A_178 = arith.addi %scan3A_96, %scan3A_177 : i32
      %add3A_179 = arith.addi %mul3A_62, %scan3A_178 : i32
      %get3A_180 = arith.index_cast %add3A_179 : i32 to index
      %get3A_181 = arith.constant 0 : index
      %get3A_182 = tpu.vector_load %arg7[%get3A_180, %get3A_181] {strides = array<i32>} : memref<200x64xf32, #tpu.memory_space<vmem>>, vector<1x16xf32>,
      %get3A_183 = vector.shape_cast %get3A_182 : vector<1x16xf32> to vector<16xf32>
      %swap3A_184 = arith.index_cast %scan3A_178 : i32 to index
      %swap3A_185 = arith.constant 0 : index
      %swap3A_186 = tpu.vector_load %arg9[%swap3A_184, %swap3A_185] {strides = array<i32>} : memref<100x64xf32, #tpu.memory_space<vmem>>, vector<1x16xf32>,
      %swap3A_187 = vector.shape_cast %swap3A_186 : vector<1x16xf32> to vector<16xf32>
      %swap3A_188 = vector.shape_cast %get3A_183 : vector<16xf32> to vector<1x16xf32>
      tpu.vector_store %arg9[%swap3A_184, %swap3A_185], %swap3A_188 {add = true, strides = array<i32>} : memref<100x64xf32, #tpu.memory_space<vmem>>, vector<1x16xf32>,
      %add3A_189 = arith.addi %mul3A_62, %scan3A_178 : i32
      %get3A_190 = arith.index_cast %add3A_189 : i32 to index
      %get3A_191 = arith.constant 16 : index
      %get3A_192 = tpu.vector_load %arg7[%get3A_190, %get3A_191] {strides = array<i32>} : memref<200x64xf32, #tpu.memory_space<vmem>>, vector<1x16xf32>,
      %get3A_193 = vector.shape_cast %get3A_192 : vector<1x16xf32> to vector<16xf32>
      %swap3A_194 = arith.index_cast %scan3A_178 : i32 to index
      %swap3A_195 = arith.constant 16 : index
      %swap3A_196 = tpu.vector_load %arg9[%swap3A_194, %swap3A_195] {strides = array<i32>} : memref<100x64xf32, #tpu.memory_space<vmem>>, vector<1x16xf32>,
      %swap3A_197 = vector.shape_cast %swap3A_196 : vector<1x16xf32> to vector<16xf32>
      %swap3A_198 = vector.shape_cast %get3A_193 : vector<16xf32> to vector<1x16xf32>
      tpu.vector_store %arg9[%swap3A_194, %swap3A_195], %swap3A_198 {add = true, strides = array<i32>} : memref<100x64xf32, #tpu.memory_space<vmem>>, vector<1x16xf32>,
      %add3A_199 = arith.addi %mul3A_62, %scan3A_178 : i32
      %get3A_200 = arith.index_cast %add3A_199 : i32 to index
      %get3A_201 = arith.constant 32 : index
      %get3A_202 = tpu.vector_load %arg7[%get3A_200, %get3A_201] {strides = array<i32>} : memref<200x64xf32, #tpu.memory_space<vmem>>, vector<1x16xf32>,
      %get3A_203 = vector.shape_cast %get3A_202 : vector<1x16xf32> to vector<16xf32>
      %swap3A_204 = arith.index_cast %scan3A_178 : i32 to index
      %swap3A_205 = arith.constant 32 : index
      %swap3A_206 = tpu.vector_load %arg9[%swap3A_204, %swap3A_205] {strides = array<i32>} : memref<100x64xf32, #tpu.memory_space<vmem>>, vector<1x16xf32>,
      %swap3A_207 = vector.shape_cast %swap3A_206 : vector<1x16xf32> to vector<16xf32>
      %swap3A_208 = vector.shape_cast %get3A_203 : vector<16xf32> to vector<1x16xf32>
      tpu.vector_store %arg9[%swap3A_204, %swap3A_205], %swap3A_208 {add = true, strides = array<i32>} : memref<100x64xf32, #tpu.memory_space<vmem>>, vector<1x16xf32>,
      %add3A_209 = arith.addi %mul3A_62, %scan3A_178 : i32
      %get3A_210 = arith.index_cast %add3A_209 : i32 to index
      %get3A_211 = arith.constant 48 : index
      %get3A_212 = tpu.vector_load %arg7[%get3A_210, %get3A_211] {strides = array<i32>} : memref<200x64xf32, #tpu.memory_space<vmem>>, vector<1x16xf32>,
      %get3A_213 = vector.shape_cast %get3A_212 : vector<1x16xf32> to vector<16xf32>
      %swap3A_214 = arith.index_cast %scan3A_178 : i32 to index
      %swap3A_215 = arith.constant 48 : index
      %swap3A_216 = tpu.vector_load %arg9[%swap3A_214, %swap3A_215] {strides = array<i32>} : memref<100x64xf32, #tpu.memory_space<vmem>>, vector<1x16xf32>,
      %swap3A_217 = vector.shape_cast %swap3A_216 : vector<1x16xf32> to vector<16xf32>
      %swap3A_218 = vector.shape_cast %get3A_213 : vector<16xf32> to vector<1x16xf32>
      tpu.vector_store %arg9[%swap3A_214, %swap3A_215], %swap3A_218 {add = true, strides = array<i32>} : memref<100x64xf32, #tpu.memory_space<vmem>>, vector<1x16xf32>,
      %scan3A_219 = arith.constant 3 : i32
      %scan3A_220 = arith.addi %scan3A_96, %scan3A_219 : i32
      %add3A_221 = arith.addi %mul3A_62, %scan3A_220 : i32
      %get3A_222 = arith.index_cast %add3A_221 : i32 to index
      %get3A_223 = arith.constant 0 : index
      %get3A_224 = tpu.vector_load %arg7[%get3A_222, %get3A_223] {strides = array<i32>} : memref<200x64xf32, #tpu.memory_space<vmem>>, vector<1x16xf32>,
      %get3A_225 = vector.shape_cast %get3A_224 : vector<1x16xf32> to vector<16xf32>
      %swap3A_226 = arith.index_cast %scan3A_220 : i32 to index
      %swap3A_227 = arith.constant 0 : index
      %swap3A_228 = tpu.vector_load %arg9[%swap3A_226, %swap3A_227] {strides = array<i32>} : memref<100x64xf32, #tpu.memory_space<vmem>>, vector<1x16xf32>,
      %swap3A_229 = vector.shape_cast %swap3A_228 : vector<1x16xf32> to vector<16xf32>
      %swap3A_230 = vector.shape_cast %get3A_225 : vector<16xf32> to vector<1x16xf32>
      tpu.vector_store %arg9[%swap3A_226, %swap3A_227], %swap3A_230 {add = true, strides = array<i32>} : memref<100x64xf32, #tpu.memory_space<vmem>>, vector<1x16xf32>,
      %add3A_231 = arith.addi %mul3A_62, %scan3A_220 : i32
      %get3A_232 = arith.index_cast %add3A_231 : i32 to index
      %get3A_233 = arith.constant 16 : index
      %get3A_234 = tpu.vector_load %arg7[%get3A_232, %get3A_233] {strides = array<i32>} : memref<200x64xf32, #tpu.memory_space<vmem>>, vector<1x16xf32>,
      %get3A_235 = vector.shape_cast %get3A_234 : vector<1x16xf32> to vector<16xf32>
      %swap3A_236 = arith.index_cast %scan3A_220 : i32 to index
      %swap3A_237 = arith.constant 16 : index
      %swap3A_238 = tpu.vector_load %arg9[%swap3A_236, %swap3A_237] {strides = array<i32>} : memref<100x64xf32, #tpu.memory_space<vmem>>, vector<1x16xf32>,
      %swap3A_239 = vector.shape_cast %swap3A_238 : vector<1x16xf32> to vector<16xf32>
      %swap3A_240 = vector.shape_cast %get3A_235 : vector<16xf32> to vector<1x16xf32>
      tpu.vector_store %arg9[%swap3A_236, %swap3A_237], %swap3A_240 {add = true, strides = array<i32>} : memref<100x64xf32, #tpu.memory_space<vmem>>, vector<1x16xf32>,
      %add3A_241 = arith.addi %mul3A_62, %scan3A_220 : i32
      %get3A_242 = arith.index_cast %add3A_241 : i32 to index
      %get3A_243 = arith.constant 32 : index
      %get3A_244 = tpu.vector_load %arg7[%get3A_242, %get3A_243] {strides = array<i32>} : memref<200x64xf32, #tpu.memory_space<vmem>>, vector<1x16xf32>,
      %get3A_245 = vector.shape_cast %get3A_244 : vector<1x16xf32> to vector<16xf32>
      %swap3A_246 = arith.index_cast %scan3A_220 : i32 to index
      %swap3A_247 = arith.constant 32 : index
      %swap3A_248 = tpu.vector_load %arg9[%swap3A_246, %swap3A_247] {strides = array<i32>} : memref<100x64xf32, #tpu.memory_space<vmem>>, vector<1x16xf32>,
      %swap3A_249 = vector.shape_cast %swap3A_248 : vector<1x16xf32> to vector<16xf32>
      %swap3A_250 = vector.shape_cast %get3A_245 : vector<16xf32> to vector<1x16xf32>
      tpu.vector_store %arg9[%swap3A_246, %swap3A_247], %swap3A_250 {add = true, strides = array<i32>} : memref<100x64xf32, #tpu.memory_space<vmem>>, vector<1x16xf32>,
      %add3A_251 = arith.addi %mul3A_62, %scan3A_220 : i32
      %get3A_252 = arith.index_cast %add3A_251 : i32 to index
      %get3A_253 = arith.constant 48 : index
      %get3A_254 = tpu.vector_load %arg7[%get3A_252, %get3A_253] {strides = array<i32>} : memref<200x64xf32, #tpu.memory_space<vmem>>, vector<1x16xf32>,
      %get3A_255 = vector.shape_cast %get3A_254 : vector<1x16xf32> to vector<16xf32>
      %swap3A_256 = arith.index_cast %scan3A_220 : i32 to index
      %swap3A_257 = arith.constant 48 : index
      %swap3A_258 = tpu.vector_load %arg9[%swap3A_256, %swap3A_257] {strides = array<i32>} : memref<100x64xf32, #tpu.memory_space<vmem>>, vector<1x16xf32>,
      %swap3A_259 = vector.shape_cast %swap3A_258 : vector<1x16xf32> to vector<16xf32>
      %swap3A_260 = vector.shape_cast %get3A_255 : vector<16xf32> to vector<1x16xf32>
      tpu.vector_store %arg9[%swap3A_256, %swap3A_257], %swap3A_260 {add = true, strides = array<i32>} : memref<100x64xf32, #tpu.memory_space<vmem>>, vector<1x16xf32>,
    }
    %scan3A_67 = arith.constant 100 : i32
    %add3A_68 = arith.constant 63 : i32
    %add3A_69 = arith.addi %mul3A_2, %add3A_68 : i32
    %dma_start3A_70 = arith.constant 0 : i32
    %dma_start3A_71 = arith.constant 0 : i32
    %dma_start3A_72 = tpu.memref_slice %arg5[%add3A_69, %dma_start3A_70, %dma_start3A_71] : memref<2048x100x64xf32, #tpu.memory_space<hbm>> -> memref<1x100x64xf32, #tpu.memory_space<hbm>>
    %dma_start3A_73 = tpu.memref_squeeze %dma_start3A_72 : memref<1x100x64xf32, #tpu.memory_space<hbm>> -> memref<100x64xf32, #tpu.memory_space<hbm>>
    %dma_start3A_74 = arith.constant 0 : i32
    %dma_start3A_75 = arith.constant 0 : i32
    %dma_start3A_76 = tpu.memref_slice %arg5[%add3A_69, %dma_start3A_74, %dma_start3A_75] : memref<2048x100x64xf32, #tpu.memory_space<hbm>> -> memref<1x100x64xf32, #tpu.memory_space<hbm>>
    %dma_start3A_77 = tpu.memref_squeeze %dma_start3A_76 : memref<1x100x64xf32, #tpu.memory_space<hbm>> -> memref<100x64xf32, #tpu.memory_space<hbm>>
    tpu.enqueue_dma source(%arg9 : memref<100x64xf32, #tpu.memory_space<vmem>>) target(%dma_start3A_77 : memref<100x64xf32, #tpu.memory_space<hbm>>) target_semaphore(%arg13 : memref<!tpu.dma_semaphore, #tpu.memory_space<semaphore_mem>>)
    %dma_wait3A_78 = arith.constant 0 : i32
    %dma_wait3A_79 = arith.constant 0 : i32
    %dma_wait3A_80 = arith.constant 0 : i32
    %dma_wait3A_81 = tpu.memref_slice %arg5[%dma_wait3A_78, %dma_wait3A_79, %dma_wait3A_80] : memref<2048x100x64xf32, #tpu.memory_space<hbm>> -> memref<1x100x64xf32, #tpu.memory_space<hbm>>
    %dma_wait3A_82 = tpu.memref_squeeze %dma_wait3A_81 : memref<1x100x64xf32, #tpu.memory_space<hbm>> -> memref<100x64xf32, #tpu.memory_space<hbm>>
    %dma_wait3A_83 = arith.constant 0 : i32
    %dma_wait3A_84 = arith.constant 0 : i32
    %dma_wait3A_85 = tpu.memref_slice %arg5[%dma_wait3A_78, %dma_wait3A_83, %dma_wait3A_84] : memref<2048x100x64xf32, #tpu.memory_space<hbm>> -> memref<1x100x64xf32, #tpu.memory_space<hbm>>
    %dma_wait3A_86 = tpu.memref_squeeze %dma_wait3A_85 : memref<1x100x64xf32, #tpu.memory_space<hbm>> -> memref<100x64xf32, #tpu.memory_space<hbm>>
    tpu.wait_dma2 semaphore(%arg12 : memref<!tpu.dma_semaphore, #tpu.memory_space<semaphore_mem>>) src(%arg8 : memref<100x64xf32, #tpu.memory_space<vmem>>) dst(%dma_wait3A_86 : memref<100x64xf32, #tpu.memory_space<hbm>>)
    %dma_wait3A_87 = arith.constant 0 : i32
    %dma_wait3A_88 = arith.constant 0 : i32
    %dma_wait3A_89 = arith.constant 0 : i32
    %dma_wait3A_90 = tpu.memref_slice %arg5[%dma_wait3A_87, %dma_wait3A_88, %dma_wait3A_89] : memref<2048x100x64xf32, #tpu.memory_space<hbm>> -> memref<1x100x64xf32, #tpu.memory_space<hbm>>
    %dma_wait3A_91 = tpu.memref_squeeze %dma_wait3A_90 : memref<1x100x64xf32, #tpu.memory_space<hbm>> -> memref<100x64xf32, #tpu.memory_space<hbm>>
    %dma_wait3A_92 = arith.constant 0 : i32
    %dma_wait3A_93 = arith.constant 0 : i32
    %dma_wait3A_94 = tpu.memref_slice %arg5[%dma_wait3A_87, %dma_wait3A_92, %dma_wait3A_93] : memref<2048x100x64xf32, #tpu.memory_space<hbm>> -> memref<1x100x64xf32, #tpu.memory_space<hbm>>
    %dma_wait3A_95 = tpu.memref_squeeze %dma_wait3A_94 : memref<1x100x64xf32, #tpu.memory_space<hbm>> -> memref<100x64xf32, #tpu.memory_space<hbm>>
    tpu.wait_dma2 semaphore(%arg13 : memref<!tpu.dma_semaphore, #tpu.memory_space<semaphore_mem>>) src(%arg9 : memref<100x64xf32, #tpu.memory_space<vmem>>) dst(%dma_wait3A_95 : memref<100x64xf32, #tpu.memory_space<hbm>>)
    return
  }
}

</mosaic_0001>

<sc_bundles>
// kernel: kernel.3.cloned.1.call-start
scs
__scs_entry_jumppad:
0x0: {  	(pc) =	sbr.rel $0x88, $3  }
0x1: {  	(tag) =	ssettag $0x0;
	lr =	simm.s32 $0x1  }
0x2: {  	[smem:$0x3F9E] =	sst lr;
	_ =	strace $0xD0000000  }
0x3: {  	_ = 	snop  }
0x4: {  	_ = 	snop  }
0x5: {  	_ = 	snop  }
0x6: {  	_ = 	snop  }
0x7: {  	_ = 	snop  }
__scs_overlays_trampoline_lowered:
0x8: {  	[smem:$0x3FAD] =	sst s0  }
0x9: {  	[smem:$0x3FAE] =	sst s1  }
0xa: {  	[smem:$0x3FAF] =	sst s2  }
0xb: {  	[smem:$0x3FB0] =	sst s3  }
0xc: {  	[smem:$0x3FB1] =	sst s4  }
0xd: {  	[smem:$0x3FB2] =	sst s5  }
0xe: {  	[smem:$0x3FB3] =	sst s6  }
0xf: {  	[smem:$0x3FB4] =	sst s7  }
0x10: {  	[smem:$0x3FB5] =	sst s8  }
0x11: {  	[smem:$0x3FB6] =	sst s9;
	s0 =	simm.s32 @!p0 $0x0  }
0x12: {  	s1 =	sld [smem:$0x3F9C];
	s0 =	simm.s32 @p0 $0x1  }
0x13: {  	[smem:$0x3FB7] =	sst s0;
	s0 =	simm.s32 @!p1 $0x0  }
0x14: {  	s2 =	sld [smem:$0x3F9B];
	s0 =	simm.s32 @p1 $0x1  }
0x15: {  	[smem:$0x3FB8] =	sst s0;
	s0 =	simm.s32 @!p2 $0x0  }
0x16: {  	s3 =	sld [smem:$0x3FDB];
	s0 =	simm.s32 @p2 $0x1  }
0x17: {  	s4 =	simm.s32 $0x1BF5;
	[smem:$0x3FBA] =	sst s0  }
0x18: {  	s0 =	sld [smem:$0x3F9D];
	_ =	swait.ge [sflag:s4], $0x0  }
0x19: {  	s7 =	sld [smem:$0x3F9E]  }
0x1a: {  	s8 =	sadd.s32 $0xFFFFE003, lr  }
0x1b: {  	s9 =	sadd.s32 $0xFFFFFEF7, lr;
	s5 =	simm.s32 $0xFFFFFFFF;
	p2 =	slt.u32 s8, $0xFFFFF086  }
0x1c: {  	p1 =	slt.u32 s9, $0xF7A;
	s5 =	simm.s32 @!p2 $0x0  }
0x1d: {  	s5 =	simm.s32 @p1 $0x1;
	p0 =	seq.s32 s7, s2  }
0x1e: {  	s7 =	smul.u32 @!p0 $0xF7A, s2;
	p2 =	seq.s32 @!p0 s5, $0x0  }
0x1f: {  	s9 =	smul.u32 $0xF7A, s1;
	s8 =	simm.s32 @!p0 $0x1BF5;
	p2 =	por !p2, p0  }
0x20: {  	[sflag:s8] =	ssyncset.s32 @!p0 $0xFFFFF086;
	s6 =	sadd.s32 @!p0 s3, s7;
	s7 =	simm.s32 @!p0 $0x108  }
0x21: {  	s3 =	sadd.s32 s3, s9;
	s6 =	sadd.s32 @!p0 $0x88, s6;
	s7 =	simm.s32 @p2 $0x1082  }
0x22: {  	[simem:s7], [sflag:s8] =	dma.local @!p0 [hbm:s6], $0xF7A  }
0x23: {  	s9 =	sor.u32 $0xD0000000, s2;
	s6 =	simm.s32 $0x108;
	_ =	swait.ge @!p0 [sflag:s8], $0x0  }
0x24: {  	s3 =	sadd.s32 $0x88, s3;
	s6 =	simm.s32 @!p1 $0x1082;
	[sflag:s4] =	ssyncset.s32 $0xFFFFF086  }
0x25: {  	[simem:s6], [sflag:s4] =	dma.local [hbm:s3], $0xF7A  }
0x26: {  	[smem:$0x3F9E] =	sst s1;
	(tag) =	ssettag s2;
	_ =	strace s9  }
0x27: {  	s1 =	sld [smem:$0x3FAE]  }
0x28: {  	s2 =	sld [smem:$0x3FAF]  }
0x29: {  	s4 =	sld [smem:$0x3FB1]  }
0x2a: {  	p0 =	seq.s32 s5, $0x0;
	s5 =	sld [smem:$0x3FB2]  }
0x2b: {  	s6 =	sld [smem:$0x3FB3]  }
0x2c: {  	s7 =	sld [smem:$0x3FB4]  }
0x2d: {  	s3 =	simm.s32 $0x108;
	s8 =	sld [smem:$0x3FB5]  }
0x2e: {  	s3 =	simm.s32 @!p0 $0x1082;
	s9 =	sld [smem:$0x3FB6]  }
0x2f: {  	lr =	sadd.s32 s0, s3;
	s0 =	sld [smem:$0x3FAD]  }
0x30: {  	s3 =	sld [smem:$0x3FB0]  }
0x31: {  	[smem:$0x3FB9] =	sst s10  }
0x32: {  	s10 =	sld [smem:$0x3FB7];
	_ =	sdelay $0x3  }
0x33: {  	p0 =	seq.s32 s10, $0x1;
	s10 =	sld [smem:$0x3FB9];
	_ =	sdelay $0x3  }
0x34: {  	[smem:$0x3FB9] =	sst s10  }
0x35: {  	s10 =	sld [smem:$0x3FB8];
	_ =	sdelay $0x3  }
0x36: {  	p1 =	seq.s32 s10, $0x1;
	s10 =	sld [smem:$0x3FB9];
	_ =	sdelay $0x3  }
0x37: {  	[smem:$0x3FB9] =	sst s10  }
0x38: {  	s10 =	sld [smem:$0x3FBA]  }
0x39: {  	_ = 	snop;
	(pc) =	sbr.ind lr, $3  }
0x3a: {  	_ = 	snop  }
0x3b: {  	_ = 	snop  }
0x3c: {  	p2 =	seq.s32 s10, $0x1;
	s10 =	sld [smem:$0x3FB9]  }
0x3d: {  	_ =	shalt  }
0x3e: {  	_ =	shalt  }
0x3f: {  	_ =	shalt  }
0x40: {  	_ =	shalt  }
0x41: {  	_ =	shalt  }
0x42: {  	_ =	shalt  }
0x43: {  	_ =	shalt  }
0x44: {  	_ =	shalt  }
0x45: {  	_ =	shalt  }
0x46: {  	_ =	shalt  }
0x47: {  	_ =	shalt  }
0x48: {  	_ =	shalt  }
0x49: {  	_ =	shalt  }
0x4a: {  	_ =	shalt  }
0x4b: {  	_ =	shalt  }
0x4c: {  	_ =	shalt  }
0x4d: {  	_ =	shalt  }
0x4e: {  	_ =	shalt  }
0x4f: {  	_ =	shalt  }
0x50: {  	_ =	shalt  }
0x51: {  	_ =	shalt  }
0x52: {  	_ =	shalt  }
0x53: {  	_ =	shalt  }
0x54: {  	_ =	shalt  }
0x55: {  	_ =	shalt  }
0x56: {  	_ =	shalt  }
0x57: {  	_ =	shalt  }
0x58: {  	_ =	shalt  }
0x59: {  	_ =	shalt  }
0x5a: {  	_ =	shalt  }
0x5b: {  	_ =	shalt  }
0x5c: {  	_ =	shalt  }
0x5d: {  	_ =	shalt  }
0x5e: {  	_ =	shalt  }
0x5f: {  	_ =	shalt  }
0x60: {  	_ =	shalt  }
0x61: {  	_ =	shalt  }
0x62: {  	_ =	shalt  }
0x63: {  	_ =	shalt  }
0x64: {  	_ =	shalt  }
0x65: {  	_ =	shalt  }
0x66: {  	_ =	shalt  }
0x67: {  	_ =	shalt  }
0x68: {  	_ =	shalt  }
0x69: {  	_ =	shalt  }
0x6a: {  	_ =	shalt  }
0x6b: {  	_ =	shalt  }
0x6c: {  	_ =	shalt  }
0x6d: {  	_ =	shalt  }
0x6e: {  	_ =	shalt  }
0x6f: {  	_ =	shalt  }
0x70: {  	_ =	shalt  }
0x71: {  	_ =	shalt  }
0x72: {  	_ =	shalt  }
0x73: {  	_ =	shalt  }
0x74: {  	_ =	shalt  }
0x75: {  	_ =	shalt  }
0x76: {  	_ =	shalt  }
0x77: {  	_ =	shalt  }
0x78: {  	_ =	shalt  }
0x79: {  	_ =	shalt  }
0x7a: {  	_ =	shalt  }
0x7b: {  	_ =	shalt  }
0x7c: {  	_ =	shalt  }
0x7d: {  	_ =	shalt  }
0x7e: {  	_ =	shalt  }
0x7f: {  	_ =	shalt  }
0x80: {  	_ =	shalt  }
0x81: {  	_ =	shalt  }
0x82: {  	_ =	shalt  }
0x83: {  	_ =	shalt  }
0x84: {  	_ =	shalt  }
0x85: {  	_ =	shalt  }
0x86: {  	_ =	shalt  }
0x87: {  	_ =	shalt  }
.Lfunc_end0:
.L_simem_size_0:
called_computation.1_lowered:
.L_overlay_start_0:
0x88: {  	s2 =	sld [smem:$0x3FD9]  }
0x89: {  	s3 =	sld [smem:$0x3FFE];
	_ =	sdelay $0x1  }
0x8a: {  	s1 =	srdreg.scid  }
0x8b: {  	s0 =	sand.u32 $0x1, s1  }
0x8c: {  	s17 =	sshll.u32 s0, $0xA;
	s2 =	sadd.s32 s3, s2  }
0x8d: {  	s2 =	sadd.s32 s2, s17  }
0x8e: {  	[smem:$0x3FC5] =	sst s2  }
0x8f: {  	_ = 	snop  }
0x90: {  	s2 =	sld [smem:$0x3FD0];
	(tm) =	ssettm $0x1  }
0x91: {  	s18 =	sld [smem:$0x3FFB];
	_ =	sdelay $0x3  }
0x92: {  	_ =	strace s18  }
0x93: {  	s3 =	sld [smem:$0x3FFC];
	_ =	sdelay $0x3  }
0x94: {  	_ =	strace s3  }
0x95: {  	s3 =	sld [smem:$0x3FFD];
	_ =	sdelay $0x3  }
0x96: {  	_ =	strace s3  }
0x97: {  	_ =	strace $0x8FFFFFFF  }
0x98: {  	s19 =	sld [smem:$0x3FDB];
	_ =	sdelay $0x1  }
0x99: {  	s4 =	simm.s32 $_scs_section_size  }
0x9a: {  	s5 =	simm.s32 $_size__tile_overlayer_lowered;
	s6 =	simm.s32 $_tile_overlayer_lowered  }
0x9b: {  	s22 =	simm.s32 $0x1BFF;
	s21 =	sshll.u32 s6, $0x1;
	s3 =	sadd.s32 s4, s19  }
0x9c: {  	s7 =	simm.s32 $0x0;
	s20 =	sshll.u32 s5, $0x1;
	s5 =	sadd.s32 s21, s3  }
0x9d: {  	[timem:s7], [sflag:s22] =	dma.local [hbm:s5], s20  }
0x9e: {  	_ =	swait.ge [sflag:s22], s20  }
0x9f: {  	s4 =	ssub.s32 $0x0, s20;
	[sflag:s22] =	ssyncset.done $0x0  }
0xa0: {  	[sflag:s22] =	ssyncadd.s32 s4;
	_ =	sdelay $0x1  }
0xa1: {  	s23 =	simm.s32 $0x1B8B  }
0xa2: {  	_ =	swait.ge [sflag:s23], $0x1  }
0xa3: {  	[sflag:s23] =	ssyncset.done $0x0  }
0xa4: {  	s25 =	simm.s32 $0x1B8E;
	s24 =	sld [smem:$0x3FFE];
	[sflag:s23] =	ssyncadd.s32 $0xFFFFFFFF  }
0xa5: {  	s26 =	simm.s32 $execute0_lowered;
	[smem:$0x3FD2] =	sst s25  }
0xa6: {  	s5 =	sshll.u32 s26, $0x1;
	_ =	strace $0x80000046;
	[dreg:$0x1] =	wrdreg $0xFFFFFFFF  }
0xa7: {  	s28 =	simm.s32 $_size_execute0_lowered;
	s3 =	sadd.s32 s3, s5;
	[dreg:$0x0] =	wrdreg $0x0  }
0xa8: {  	s5 =	sshll.u32 s28, $0x1;
	[dreg:$0x2] =	wrdreg s3  }
0xa9: {  	[dreg:$0x3] =	wrdreg s5  }
0xaa: {  	[dreg:$0x4] =	wrdreg $0xC0  }
0xab: {  	_ =	task [dreg:s7], $0x5FFFF  }
0xac: {  	[dreg:$0x1] =	wrdreg $0xFFFFFFFF  }
0xad: {  	[dreg:$0x0] =	wrdreg $0x60  }
0xae: {  	[dreg:$0x2] =	wrdreg s24  }
0xaf: {  	[dreg:$0x3] =	wrdreg s2  }
0xb0: {  	[dreg:$0x4] =	wrdreg $0x9  }
0xb1: {  	_ =	task.clear_ibuf [dreg:s7], $0x5FFFF;
	_ =	strace $0x90000046  }
0xb2: {  	s29 =	simm.s32 $0x9;
	_ =	strace $0x80000048  }
0xb3: {  	_ =	swait.ge [sflag:s29], $0x1  }
0xb4: {  	[sflag:s29] =	ssyncadd.s32 $0xFFFFFFFF  }
0xb5: {  	_ =	strace $0x90000048  }
0xb6: {  	_ =	sfence  }
0xb7: {  	s30 =	sld [smem:$0x0];
	_ =	sdelay $0x2  }
0xb8: {  	s31 =	sshll.u32 s1, $0xD;
	s1 =	sshrl.u32 s1, $0x2  }
0xb9: {  	s3 =	sand.u32 $0x4000, s31;
	s1 =	sadd.s32 s1, s30  }
0xba: {  	s0 =	sor.u32 s3, s0;
	s1 =	sshll.u32 s1, $0x11  }
0xbb: {  	s0 =	sor.u32 s1, s0  }
0xbc: {  	s0 =	sadd.s32 $0x8F2B, s0  }
0xbd: {  	[sflag:s0] =	ssyncadd.remote.s32 $0x1  }
0xbe: {  	_ =	sfence.sel $0xFFFF  }
0xbf: {  	[dreg:$0x0] =	wrdreg $0xFFFFFFFF;
	(pc) =	sbr.abs _section_cstart, $3  }
0xc0: {  	[dreg:$0x1] =	wrdreg $0xFFFFFFFF  }
0xc1: {  	_ =	task.clear_ibuf [dreg:s7], $0x2FFFF;
	_ =	strace $0x9FFFFFFF  }
0xc2: {  	(tm) =	ssettm $0x7FFFFFFF  }
0xc3: {  	_ =	shalt  }
tec
execute0_lowered:
.L_overlay_start_1:
0x0: {  	(tag) =	ssettag $0x1  }
0x1: {  	s1 =	srdreg.scid;
	s6 =	rddreg [dreg:$0x0]  }
0x2: {  	s0 =	stileid.u32;
	s2 =	rddreg [dreg:$0x1];
	s3 =	simm.s32 $0x0  }
0x3: {  	s13 =	simm.s32 $0x64;
	s14 =	simm.s32 $0x4C00;
	s15 =	simm.s32 $0x1  }
0x4: {  	s16 =	simm.s32 $0x68;
	s17 =	simm.s32 $0x6500;
	s18 =	simm.s32 $0x2  }
0x5: {  	s19 =	simm.s32 $0x3;
	s20 =	simm.s32 $0x4;
	s7 =	sand.u32 $0x1, s1  }
0x6: {  	s21 =	simm.s32 $0x0;
	s4 =	sshll.u32 s0, $0x7;
	s5 =	sshll.u32 s7, $0x6  }
0x7: {  	s1 =	rddreg [dreg:$0x2];
	s7 =	ssub.s32 $0x2, s7;
	s4 =	sor.u32 s5, s4  }
0x8: {  	[smem:$0x7FF] =	sst s3;
	s10 =	sshrl.u32 s7, $0x1;
	s5 =	smul.u32 $0xD, s4  }
0x9: {  	_ =	strace $0x80000047;
	s8 =	smul.u32 $0x1900, s4;
	s10 =	ssub.s32 s7, s10  }
0xa: {  	s11 =	smul.u32 $0x320, s4;
	s10 =	smax.u32 s10, $0x1;
	s9 =	sadd.s32 s5, s6  }
0xb: {  	s5 =	sadd.s32 $0xF43000, s6;
	s8 =	sshrl.u32 s8, $0x3;
	s6 =	sadd.s32 $0x7400, s6  }
0xc: {  	s12 =	sadd.s32 s2, s8;
	s7 =	sadd.s32 $0xC00, s9;
	s8 =	sadd.s32 s2, s11  }
0xd: {  	s11 =	simm.s32 $0x5;
	s9 =	sadd.s32 $0xC4E0, s12;
	s12 =	simm.s32 $0x1A00  }
.LBB2_1:
0xe: {  	[tilespmem:s3], [sflag:$0x5] =	stream.linear.gather [hbm4b:s7+s3], $0x1A00, $0x38;
	[tilespmem:$0x7E00] =	vst v63  }
0xf: {  	_ =	swait.ge [sflag:s11], $0x1A00  }
0x10: {  	[sflag:s11] =	ssyncset.done $0x0  }
0x11: {  	[sflag:s11] =	ssyncadd.s32 $0xFFFFE600  }
0x12: {  	[tilespmem:s12], [sflag:$0x5] =	stream.linear.gather [hbm4b:s6+s3], $0x3200, $0x38;
	[tilespmem:$0x7E00] =	vst v63  }
0x13: {  	_ =	swait.ge [sflag:s11], $0x3200  }
0x14: {  	[sflag:s11] =	ssyncset.done $0x0  }
0x15: {  	[sflag:s11] =	ssyncadd.s32 $0xFFFFCE00  }
0x16: {  	[tilespmem:s14], [sflag:$0x1] =	stream.indirect.gather [hbm4b:s5+s13], $0x40, s3, s13, $0xb8;
	[tilespmem:$0x7E00] =	vst v63  }
0x17: {  	_ =	swait.ge [sflag:s15], $0x1900  }
0x18: {  	[sflag:s15] =	ssyncset.done $0x0  }
0x19: {  	s22 =	simm.s32 $0x0;
	[sflag:s15] =	ssyncadd.s32 $0xFFFFE700  }
0x1a: {  	v0 =	vld [tilespmem:s22+$0x1AF0]  }
0x1b: {  	v1 =	vld [tilespmem:s22+$0x1A00]  }
0x1c: {  	v2 =	vld [tilespmem:s22+$0x1A10]  }
0x1d: {  	v3 =	vld [tilespmem:s22+$0x1A20]  }
0x1e: {  	v4 =	vld [tilespmem:s22+$0x1A30]  }
0x1f: {  	v5 =	vld [tilespmem:s22+$0x1A40]  }
0x20: {  	v6 =	vld [tilespmem:s22+$0x1A50]  }
0x21: {  	v7 =	vld [tilespmem:s22+$0x1A60]  }
0x22: {  	v8 =	vld [tilespmem:s22+$0x1A70]  }
0x23: {  	v9 =	vld [tilespmem:s22+$0x1A80]  }
0x24: {  	v10 =	vld [tilespmem:s22+$0x1A90]  }
0x25: {  	v11 =	vld [tilespmem:s22+$0x1AA0]  }
0x26: {  	v12 =	vld [tilespmem:s22+$0x1AB0]  }
0x27: {  	v13 =	vld [tilespmem:s22+$0x1AC0]  }
0x28: {  	v14 =	vld [tilespmem:s22+$0x1AD0]  }
0x29: {  	[tilespmem:s22+$0x4CF0] =	vst.add.f32.msk $0xffff, v0  }
0x2a: {  	v0 =	vld [tilespmem:s22+$0x1AE0]  }
0x2b: {  	[tilespmem:s22+$0x4C00] =	vst.add.f32.msk $0xffff, v1  }
0x2c: {  	[tilespmem:s22+$0x4C10] =	vst.add.f32.msk $0xffff, v2  }
0x2d: {  	[tilespmem:s22+$0x4C20] =	vst.add.f32.msk $0xffff, v3  }
0x2e: {  	[tilespmem:s22+$0x4C30] =	vst.add.f32.msk $0xffff, v4  }
0x2f: {  	[tilespmem:s22+$0x4C40] =	vst.add.f32.msk $0xffff, v5  }
0x30: {  	[tilespmem:s22+$0x4C50] =	vst.add.f32.msk $0xffff, v6  }
0x31: {  	[tilespmem:s22+$0x4C60] =	vst.add.f32.msk $0xffff, v7  }
0x32: {  	[tilespmem:s22+$0x4C70] =	vst.add.f32.msk $0xffff, v8  }
0x33: {  	[tilespmem:s22+$0x4C80] =	vst.add.f32.msk $0xffff, v9  }
0x34: {  	[tilespmem:s22+$0x4C90] =	vst.add.f32.msk $0xffff, v10  }
0x35: {  	[tilespmem:s22+$0x4CA0] =	vst.add.f32.msk $0xffff, v11  }
0x36: {  	[tilespmem:s22+$0x4CB0] =	vst.add.f32.msk $0xffff, v12  }
0x37: {  	[tilespmem:s22+$0x4CC0] =	vst.add.f32.msk $0xffff, v13  }
0x38: {  	s23 =	simm.s32 $0x0;
	s24 =	simm.s32 $0x400;
	[tilespmem:s22+$0x4CD0] =	vst.add.f32.msk $0xffff, v14  }
.LBB2_2:
0x39: {  	s23 =	sadd.s32 $0x4, s23;
	[tilespmem:s22+$0x4CE0] =	vst.add.f32.msk $0xffff, v0;
	s22 =	sshra.s32 s24, $0x2  }
0x3a: {  	v0 =	vld [tilespmem:s22+$0x1AF0];
	p0 =	slt.u32 s23, $0x60  }
0x3b: {  	v1 =	vld [tilespmem:s22+$0x1A00]  }
0x3c: {  	v2 =	vld [tilespmem:s22+$0x1A10]  }
0x3d: {  	v3 =	vld [tilespmem:s22+$0x1A20]  }
0x3e: {  	v4 =	vld [tilespmem:s22+$0x1A30]  }
0x3f: {  	[tilespmem:s22+$0x4CF0] =	vst.add.f32.msk $0xffff, v0  }
0x40: {  	v5 =	vld [tilespmem:s22+$0x1A40]  }
0x41: {  	v6 =	vld [tilespmem:s22+$0x1A50]  }
0x42: {  	v7 =	vld [tilespmem:s22+$0x1A60]  }
0x43: {  	v8 =	vld [tilespmem:s22+$0x1A70]  }
0x44: {  	v9 =	vld [tilespmem:s22+$0x1A80]  }
0x45: {  	v10 =	vld [tilespmem:s22+$0x1A90]  }
0x46: {  	v11 =	vld [tilespmem:s22+$0x1AA0]  }
0x47: {  	v12 =	vld [tilespmem:s22+$0x1AB0]  }
0x48: {  	v13 =	vld [tilespmem:s22+$0x1AC0]  }
0x49: {  	v14 =	vld [tilespmem:s22+$0x1AD0]  }
0x4a: {  	v0 =	vld [tilespmem:s22+$0x1AE0]  }
0x4b: {  	[tilespmem:s22+$0x4C00] =	vst.add.f32.msk $0xffff, v1  }
0x4c: {  	[tilespmem:s22+$0x4C10] =	vst.add.f32.msk $0xffff, v2  }
0x4d: {  	[tilespmem:s22+$0x4C20] =	vst.add.f32.msk $0xffff, v3  }
0x4e: {  	[tilespmem:s22+$0x4C30] =	vst.add.f32.msk $0xffff, v4  }
0x4f: {  	[tilespmem:s22+$0x4C40] =	vst.add.f32.msk $0xffff, v5  }
0x50: {  	[tilespmem:s22+$0x4C50] =	vst.add.f32.msk $0xffff, v6  }
0x51: {  	[tilespmem:s22+$0x4C60] =	vst.add.f32.msk $0xffff, v7  }
0x52: {  	[tilespmem:s22+$0x4C70] =	vst.add.f32.msk $0xffff, v8  }
0x53: {  	[tilespmem:s22+$0x4C80] =	vst.add.f32.msk $0xffff, v9  }
.Ltmp0:
0x54: {  	[tilespmem:s22+$0x4C90] =	vst.add.f32.msk $0xffff, v10;
	(pc) =	sbr.rel @p0 .LBB2_2-.Ltmp0, $4  }
0x55: {  	[tilespmem:s22+$0x4CA0] =	vst.add.f32.msk $0xffff, v11  }
0x56: {  	[tilespmem:s22+$0x4CB0] =	vst.add.f32.msk $0xffff, v12  }
0x57: {  	[tilespmem:s22+$0x4CC0] =	vst.add.f32.msk $0xffff, v13  }
0x58: {  	s24 =	sadd.s32 $0x400, s24;
	[tilespmem:s22+$0x4CD0] =	vst.add.f32.msk $0xffff, v14  }
0x59: {  	[tilespmem:s22+$0x4CE0] =	vst.add.f32.msk $0xffff, v0  }
0x5a: {  	[tilespmem:s17], [sflag:$0x2] =	stream.indirect.gather [hbm4b:s5+s13], $0x40, s16, s13, $0xb8;
	[tilespmem:$0x7E00] =	vst v63  }
0x5b: {  	s22 =	simm.s32 $0x0  }
0x5c: {  	[hbm4b:s8+s22] =	stream.linear.scatter [tilespmem:s14], [sflag:$0x3], $0x1900, $0x38;
	[tilespmem:$0x7E00] =	vst v63  }
.LBB2_4:
0x5d: {  	_ =	swait.ge [sflag:s18], $0x1900  }
0x5e: {  	[sflag:s18] =	ssyncset.done $0x0  }
0x5f: {  	s23 =	simm.s32 $0x0;
	[sflag:s18] =	ssyncadd.s32 $0xFFFFE700  }
0x60: {  	v0 =	vld [tilespmem:s23+$0x33F0]  }
0x61: {  	v1 =	vld [tilespmem:s23+$0x3300]  }
0x62: {  	v2 =	vld [tilespmem:s23+$0x3310]  }
0x63: {  	v3 =	vld [tilespmem:s23+$0x3320]  }
0x64: {  	v4 =	vld [tilespmem:s23+$0x3330]  }
0x65: {  	v5 =	vld [tilespmem:s23+$0x3340]  }
0x66: {  	v6 =	vld [tilespmem:s23+$0x3350]  }
0x67: {  	v7 =	vld [tilespmem:s23+$0x3360]  }
0x68: {  	v8 =	vld [tilespmem:s23+$0x3370]  }
0x69: {  	v9 =	vld [tilespmem:s23+$0x3380]  }
0x6a: {  	v10 =	vld [tilespmem:s23+$0x3390]  }
0x6b: {  	v11 =	vld [tilespmem:s23+$0x33A0]  }
0x6c: {  	v12 =	vld [tilespmem:s23+$0x33B0]  }
0x6d: {  	v13 =	vld [tilespmem:s23+$0x33C0]  }
0x6e: {  	v14 =	vld [tilespmem:s23+$0x33D0]  }
0x6f: {  	[tilespmem:s23+$0x65F0] =	vst.add.f32.msk $0xffff, v0  }
0x70: {  	v0 =	vld [tilespmem:s23+$0x33E0]  }
0x71: {  	[tilespmem:s23+$0x6500] =	vst.add.f32.msk $0xffff, v1  }
0x72: {  	[tilespmem:s23+$0x6510] =	vst.add.f32.msk $0xffff, v2  }
0x73: {  	[tilespmem:s23+$0x6520] =	vst.add.f32.msk $0xffff, v3  }
0x74: {  	[tilespmem:s23+$0x6530] =	vst.add.f32.msk $0xffff, v4  }
0x75: {  	[tilespmem:s23+$0x6540] =	vst.add.f32.msk $0xffff, v5  }
0x76: {  	[tilespmem:s23+$0x6550] =	vst.add.f32.msk $0xffff, v6  }
0x77: {  	[tilespmem:s23+$0x6560] =	vst.add.f32.msk $0xffff, v7  }
0x78: {  	[tilespmem:s23+$0x6570] =	vst.add.f32.msk $0xffff, v8  }
0x79: {  	[tilespmem:s23+$0x6580] =	vst.add.f32.msk $0xffff, v9  }
0x7a: {  	[tilespmem:s23+$0x6590] =	vst.add.f32.msk $0xffff, v10  }
0x7b: {  	[tilespmem:s23+$0x65A0] =	vst.add.f32.msk $0xffff, v11  }
0x7c: {  	[tilespmem:s23+$0x65B0] =	vst.add.f32.msk $0xffff, v12  }
0x7d: {  	[tilespmem:s23+$0x65C0] =	vst.add.f32.msk $0xffff, v13  }
0x7e: {  	s24 =	simm.s32 $0x0;
	s25 =	simm.s32 $0x400;
	[tilespmem:s23+$0x65D0] =	vst.add.f32.msk $0xffff, v14  }
.LBB2_5:
0x7f: {  	s24 =	sadd.s32 $0x4, s24;
	[tilespmem:s23+$0x65E0] =	vst.add.f32.msk $0xffff, v0;
	s23 =	sshra.s32 s25, $0x2  }
0x80: {  	v0 =	vld [tilespmem:s23+$0x33F0];
	p0 =	slt.u32 s24, $0x60  }
0x81: {  	v1 =	vld [tilespmem:s23+$0x3300]  }
0x82: {  	v2 =	vld [tilespmem:s23+$0x3310]  }
0x83: {  	v3 =	vld [tilespmem:s23+$0x3320]  }
0x84: {  	v4 =	vld [tilespmem:s23+$0x3330]  }
0x85: {  	[tilespmem:s23+$0x65F0] =	vst.add.f32.msk $0xffff, v0  }
0x86: {  	v5 =	vld [tilespmem:s23+$0x3340]  }
0x87: {  	v6 =	vld [tilespmem:s23+$0x3350]  }
0x88: {  	v7 =	vld [tilespmem:s23+$0x3360]  }
0x89: {  	v8 =	vld [tilespmem:s23+$0x3370]  }
0x8a: {  	v9 =	vld [tilespmem:s23+$0x3380]  }
0x8b: {  	v10 =	vld [tilespmem:s23+$0x3390]  }
0x8c: {  	v11 =	vld [tilespmem:s23+$0x33A0]  }
0x8d: {  	v12 =	vld [tilespmem:s23+$0x33B0]  }
0x8e: {  	v13 =	vld [tilespmem:s23+$0x33C0]  }
0x8f: {  	v14 =	vld [tilespmem:s23+$0x33D0]  }
0x90: {  	v0 =	vld [tilespmem:s23+$0x33E0]  }
0x91: {  	[tilespmem:s23+$0x6500] =	vst.add.f32.msk $0xffff, v1  }
0x92: {  	[tilespmem:s23+$0x6510] =	vst.add.f32.msk $0xffff, v2  }
0x93: {  	[tilespmem:s23+$0x6520] =	vst.add.f32.msk $0xffff, v3  }
0x94: {  	[tilespmem:s23+$0x6530] =	vst.add.f32.msk $0xffff, v4  }
0x95: {  	[tilespmem:s23+$0x6540] =	vst.add.f32.msk $0xffff, v5  }
0x96: {  	[tilespmem:s23+$0x6550] =	vst.add.f32.msk $0xffff, v6  }
0x97: {  	[tilespmem:s23+$0x6560] =	vst.add.f32.msk $0xffff, v7  }
0x98: {  	[tilespmem:s23+$0x6570] =	vst.add.f32.msk $0xffff, v8  }
0x99: {  	[tilespmem:s23+$0x6580] =	vst.add.f32.msk $0xffff, v9  }
.Ltmp1:
0x9a: {  	[tilespmem:s23+$0x6590] =	vst.add.f32.msk $0xffff, v10;
	(pc) =	sbr.rel @p0 .LBB2_5-.Ltmp1, $4  }
0x9b: {  	[tilespmem:s23+$0x65A0] =	vst.add.f32.msk $0xffff, v11  }
0x9c: {  	[tilespmem:s23+$0x65B0] =	vst.add.f32.msk $0xffff, v12  }
0x9d: {  	[tilespmem:s23+$0x65C0] =	vst.add.f32.msk $0xffff, v13  }
0x9e: {  	s25 =	sadd.s32 $0x400, s25;
	[tilespmem:s23+$0x65D0] =	vst.add.f32.msk $0xffff, v14  }
0x9f: {  	s24 =	sshll.u32 s22, $0x1  }
0xa0: {  	[tilespmem:s23+$0x65E0] =	vst.add.f32.msk $0xffff, v0;
	s23 =	sadd.s32 $0x2, s24  }
0xa1: {  	s24 =	sadd.s32 s24, s4;
	s25 =	smul.u32 $0x1A0, s23  }
0xa2: {  	_ =	swait.ge [sflag:s19], $0x1900;
	s24 =	smul.u32 $0x320, s24  }
0xa3: {  	[sflag:s19] =	ssyncset.done $0x0  }
0xa4: {  	[sflag:s19] =	ssyncadd.s32 $0xFFFFE700;
	s25 =	sshra.s32 s25, $0x2;
	s24 =	sadd.s32 s2, s24  }
0xa5: {  	[tilespmem:s14], [sflag:$0x1] =	stream.indirect.gather [hbm4b:s5+s13], $0x40, s25, s13, $0xb8;
	[tilespmem:$0x7E00] =	vst v63  }
0xa6: {  	s31 =	simm.s32 $0x0;
	s24 =	sadd.s32 $0x320, s24  }
0xa7: {  	[hbm4b:s24+s31] =	stream.linear.scatter [tilespmem:s17], [sflag:$0x4], $0x1900, $0x38;
	[tilespmem:$0x7E00] =	vst v63  }
0xa8: {  	_ =	swait.ge [sflag:s15], $0x1900  }
0xa9: {  	[sflag:s15] =	ssyncset.done $0x0  }
0xaa: {  	s24 =	simm.s32 $0x0;
	[sflag:s15] =	ssyncadd.s32 $0xFFFFE700  }
0xab: {  	v0 =	vld [tilespmem:s24+$0x1AF0]  }
0xac: {  	v1 =	vld [tilespmem:s24+$0x1A00]  }
0xad: {  	v2 =	vld [tilespmem:s24+$0x1A10]  }
0xae: {  	v3 =	vld [tilespmem:s24+$0x1A20]  }
0xaf: {  	v4 =	vld [tilespmem:s24+$0x1A30]  }
0xb0: {  	v5 =	vld [tilespmem:s24+$0x1A40]  }
0xb1: {  	v6 =	vld [tilespmem:s24+$0x1A50]  }
0xb2: {  	v7 =	vld [tilespmem:s24+$0x1A60]  }
0xb3: {  	v8 =	vld [tilespmem:s24+$0x1A70]  }
0xb4: {  	v9 =	vld [tilespmem:s24+$0x1A80]  }
0xb5: {  	v10 =	vld [tilespmem:s24+$0x1A90]  }
0xb6: {  	v11 =	vld [tilespmem:s24+$0x1AA0]  }
0xb7: {  	v12 =	vld [tilespmem:s24+$0x1AB0]  }
0xb8: {  	v13 =	vld [tilespmem:s24+$0x1AC0]  }
0xb9: {  	v14 =	vld [tilespmem:s24+$0x1AD0]  }
0xba: {  	[tilespmem:s24+$0x4CF0] =	vst.add.f32.msk $0xffff, v0  }
0xbb: {  	v0 =	vld [tilespmem:s24+$0x1AE0]  }
0xbc: {  	[tilespmem:s24+$0x4C00] =	vst.add.f32.msk $0xffff, v1  }
0xbd: {  	[tilespmem:s24+$0x4C10] =	vst.add.f32.msk $0xffff, v2  }
0xbe: {  	[tilespmem:s24+$0x4C20] =	vst.add.f32.msk $0xffff, v3  }
0xbf: {  	[tilespmem:s24+$0x4C30] =	vst.add.f32.msk $0xffff, v4  }
0xc0: {  	[tilespmem:s24+$0x4C40] =	vst.add.f32.msk $0xffff, v5  }
0xc1: {  	[tilespmem:s24+$0x4C50] =	vst.add.f32.msk $0xffff, v6  }
0xc2: {  	[tilespmem:s24+$0x4C60] =	vst.add.f32.msk $0xffff, v7  }
0xc3: {  	[tilespmem:s24+$0x4C70] =	vst.add.f32.msk $0xffff, v8  }
0xc4: {  	[tilespmem:s24+$0x4C80] =	vst.add.f32.msk $0xffff, v9  }
0xc5: {  	[tilespmem:s24+$0x4C90] =	vst.add.f32.msk $0xffff, v10  }
0xc6: {  	[tilespmem:s24+$0x4CA0] =	vst.add.f32.msk $0xffff, v11  }
0xc7: {  	[tilespmem:s24+$0x4CB0] =	vst.add.f32.msk $0xffff, v12  }
0xc8: {  	[tilespmem:s24+$0x4CC0] =	vst.add.f32.msk $0xffff, v13  }
0xc9: {  	s26 =	simm.s32 $0x400;
	s25 =	simm.s32 $0x0;
	[tilespmem:s24+$0x4CD0] =	vst.add.f32.msk $0xffff, v14  }
.LBB2_7:
0xca: {  	s25 =	sadd.s32 $0x4, s25;
	[tilespmem:s24+$0x4CE0] =	vst.add.f32.msk $0xffff, v0;
	s24 =	sshra.s32 s26, $0x2  }
0xcb: {  	v0 =	vld [tilespmem:s24+$0x1AF0];
	p0 =	slt.u32 s25, $0x60  }
0xcc: {  	v1 =	vld [tilespmem:s24+$0x1A00]  }
0xcd: {  	v2 =	vld [tilespmem:s24+$0x1A10]  }
0xce: {  	v3 =	vld [tilespmem:s24+$0x1A20]  }
0xcf: {  	v4 =	vld [tilespmem:s24+$0x1A30]  }
0xd0: {  	[tilespmem:s24+$0x4CF0] =	vst.add.f32.msk $0xffff, v0  }
0xd1: {  	v5 =	vld [tilespmem:s24+$0x1A40]  }
0xd2: {  	v6 =	vld [tilespmem:s24+$0x1A50]  }
0xd3: {  	v7 =	vld [tilespmem:s24+$0x1A60]  }
0xd4: {  	v8 =	vld [tilespmem:s24+$0x1A70]  }
0xd5: {  	v9 =	vld [tilespmem:s24+$0x1A80]  }
0xd6: {  	v10 =	vld [tilespmem:s24+$0x1A90]  }
0xd7: {  	v11 =	vld [tilespmem:s24+$0x1AA0]  }
0xd8: {  	v12 =	vld [tilespmem:s24+$0x1AB0]  }
0xd9: {  	v13 =	vld [tilespmem:s24+$0x1AC0]  }
0xda: {  	v14 =	vld [tilespmem:s24+$0x1AD0]  }
0xdb: {  	v0 =	vld [tilespmem:s24+$0x1AE0]  }
0xdc: {  	[tilespmem:s24+$0x4C00] =	vst.add.f32.msk $0xffff, v1  }
0xdd: {  	[tilespmem:s24+$0x4C10] =	vst.add.f32.msk $0xffff, v2  }
0xde: {  	[tilespmem:s24+$0x4C20] =	vst.add.f32.msk $0xffff, v3  }
0xdf: {  	[tilespmem:s24+$0x4C30] =	vst.add.f32.msk $0xffff, v4  }
0xe0: {  	[tilespmem:s24+$0x4C40] =	vst.add.f32.msk $0xffff, v5  }
0xe1: {  	[tilespmem:s24+$0x4C50] =	vst.add.f32.msk $0xffff, v6  }
0xe2: {  	[tilespmem:s24+$0x4C60] =	vst.add.f32.msk $0xffff, v7  }
0xe3: {  	[tilespmem:s24+$0x4C70] =	vst.add.f32.msk $0xffff, v8  }
0xe4: {  	[tilespmem:s24+$0x4C80] =	vst.add.f32.msk $0xffff, v9  }
.Ltmp2:
0xe5: {  	[tilespmem:s24+$0x4C90] =	vst.add.f32.msk $0xffff, v10;
	(pc) =	sbr.rel @p0 .LBB2_7-.Ltmp2, $4  }
0xe6: {  	[tilespmem:s24+$0x4CA0] =	vst.add.f32.msk $0xffff, v11  }
0xe7: {  	[tilespmem:s24+$0x4CB0] =	vst.add.f32.msk $0xffff, v12  }
0xe8: {  	[tilespmem:s24+$0x4CC0] =	vst.add.f32.msk $0xffff, v13  }
0xe9: {  	s26 =	sadd.s32 $0x400, s26;
	[tilespmem:s24+$0x4CD0] =	vst.add.f32.msk $0xffff, v14  }
0xea: {  	[tilespmem:s24+$0x4CE0] =	vst.add.f32.msk $0xffff, v0;
	s31 =	smul.u32 $0x340, s22;
	s22 =	sadd.s32 $0x1, s22  }
0xeb: {  	s23 =	sadd.s32 s4, s23;
	_ =	swait.ge [sflag:s20], $0x1900;
	p0 =	sne.s32 s22, $0x1F  }
.Ltmp3:
0xec: {  	[sflag:s20] =	ssyncset.done $0x0;
	s24 =	sshra.s32 s31, $0x2;
	(pc) =	sbr.rel @p0 .LBB2_4-.Ltmp3, $4  }
0xed: {  	s23 =	smul.u32 $0x320, s23;
	[sflag:s20] =	ssyncadd.s32 $0xFFFFE700;
	s24 =	sadd.s32 $0x138, s24  }
0xee: {  	[tilespmem:s17], [sflag:$0x2] =	stream.indirect.gather [hbm4b:s5+s13], $0x40, s24, s13, $0xb8;
	[tilespmem:$0x7E00] =	vst v63  }
0xef: {  	s23 =	sadd.s32 s2, s23  }
0xf0: {  	[hbm4b:s23+s3] =	stream.linear.scatter [tilespmem:s14], [sflag:$0x3], $0x1900, $0x38;
	[tilespmem:$0x7E00] =	vst v63  }
0xf1: {  	_ =	swait.ge [sflag:s18], $0x1900  }
0xf2: {  	[sflag:s18] =	ssyncset.done $0x0  }
0xf3: {  	s22 =	simm.s32 $0x0;
	[sflag:s18] =	ssyncadd.s32 $0xFFFFE700  }
0xf4: {  	v0 =	vld [tilespmem:s22+$0x33F0]  }
0xf5: {  	v1 =	vld [tilespmem:s22+$0x3300]  }
0xf6: {  	v2 =	vld [tilespmem:s22+$0x3310]  }
0xf7: {  	v3 =	vld [tilespmem:s22+$0x3320]  }
0xf8: {  	v4 =	vld [tilespmem:s22+$0x3330]  }
0xf9: {  	v5 =	vld [tilespmem:s22+$0x3340]  }
0xfa: {  	v6 =	vld [tilespmem:s22+$0x3350]  }
0xfb: {  	v7 =	vld [tilespmem:s22+$0x3360]  }
0xfc: {  	v8 =	vld [tilespmem:s22+$0x3370]  }
0xfd: {  	v9 =	vld [tilespmem:s22+$0x3380]  }
0xfe: {  	v10 =	vld [tilespmem:s22+$0x3390]  }
0xff: {  	v11 =	vld [tilespmem:s22+$0x33A0]  }
0x100: {  	v12 =	vld [tilespmem:s22+$0x33B0]  }
0x101: {  	v13 =	vld [tilespmem:s22+$0x33C0]  }
0x102: {  	v14 =	vld [tilespmem:s22+$0x33D0]  }
0x103: {  	[tilespmem:s22+$0x65F0] =	vst.add.f32.msk $0xffff, v0  }
0x104: {  	v0 =	vld [tilespmem:s22+$0x33E0]  }
0x105: {  	[tilespmem:s22+$0x6500] =	vst.add.f32.msk $0xffff, v1  }
0x106: {  	[tilespmem:s22+$0x6510] =	vst.add.f32.msk $0xffff, v2  }
0x107: {  	[tilespmem:s22+$0x6520] =	vst.add.f32.msk $0xffff, v3  }
0x108: {  	[tilespmem:s22+$0x6530] =	vst.add.f32.msk $0xffff, v4  }
0x109: {  	[tilespmem:s22+$0x6540] =	vst.add.f32.msk $0xffff, v5  }
0x10a: {  	[tilespmem:s22+$0x6550] =	vst.add.f32.msk $0xffff, v6  }
0x10b: {  	[tilespmem:s22+$0x6560] =	vst.add.f32.msk $0xffff, v7  }
0x10c: {  	[tilespmem:s22+$0x6570] =	vst.add.f32.msk $0xffff, v8  }
0x10d: {  	[tilespmem:s22+$0x6580] =	vst.add.f32.msk $0xffff, v9  }
0x10e: {  	[tilespmem:s22+$0x6590] =	vst.add.f32.msk $0xffff, v10  }
0x10f: {  	[tilespmem:s22+$0x65A0] =	vst.add.f32.msk $0xffff, v11  }
0x110: {  	[tilespmem:s22+$0x65B0] =	vst.add.f32.msk $0xffff, v12  }
0x111: {  	[tilespmem:s22+$0x65C0] =	vst.add.f32.msk $0xffff, v13  }
0x112: {  	s23 =	simm.s32 $0x0;
	s24 =	simm.s32 $0x400;
	[tilespmem:s22+$0x65D0] =	vst.add.f32.msk $0xffff, v14  }
.LBB2_10:
0x113: {  	s23 =	sadd.s32 $0x4, s23;
	[tilespmem:s22+$0x65E0] =	vst.add.f32.msk $0xffff, v0;
	s22 =	sshra.s32 s24, $0x2  }
0x114: {  	v0 =	vld [tilespmem:s22+$0x33F0];
	p0 =	slt.u32 s23, $0x60  }
0x115: {  	v1 =	vld [tilespmem:s22+$0x3300]  }
0x116: {  	v2 =	vld [tilespmem:s22+$0x3310]  }
0x117: {  	v3 =	vld [tilespmem:s22+$0x3320]  }
0x118: {  	v4 =	vld [tilespmem:s22+$0x3330]  }
0x119: {  	[tilespmem:s22+$0x65F0] =	vst.add.f32.msk $0xffff, v0  }
0x11a: {  	v5 =	vld [tilespmem:s22+$0x3340]  }
0x11b: {  	v6 =	vld [tilespmem:s22+$0x3350]  }
0x11c: {  	v7 =	vld [tilespmem:s22+$0x3360]  }
0x11d: {  	v8 =	vld [tilespmem:s22+$0x3370]  }
0x11e: {  	v9 =	vld [tilespmem:s22+$0x3380]  }
0x11f: {  	v10 =	vld [tilespmem:s22+$0x3390]  }
0x120: {  	v11 =	vld [tilespmem:s22+$0x33A0]  }
0x121: {  	v12 =	vld [tilespmem:s22+$0x33B0]  }
0x122: {  	v13 =	vld [tilespmem:s22+$0x33C0]  }
0x123: {  	v14 =	vld [tilespmem:s22+$0x33D0]  }
0x124: {  	v0 =	vld [tilespmem:s22+$0x33E0]  }
0x125: {  	[tilespmem:s22+$0x6500] =	vst.add.f32.msk $0xffff, v1  }
0x126: {  	[tilespmem:s22+$0x6510] =	vst.add.f32.msk $0xffff, v2  }
0x127: {  	[tilespmem:s22+$0x6520] =	vst.add.f32.msk $0xffff, v3  }
0x128: {  	[tilespmem:s22+$0x6530] =	vst.add.f32.msk $0xffff, v4  }
0x129: {  	[tilespmem:s22+$0x6540] =	vst.add.f32.msk $0xffff, v5  }
0x12a: {  	[tilespmem:s22+$0x6550] =	vst.add.f32.msk $0xffff, v6  }
0x12b: {  	[tilespmem:s22+$0x6560] =	vst.add.f32.msk $0xffff, v7  }
0x12c: {  	[tilespmem:s22+$0x6570] =	vst.add.f32.msk $0xffff, v8  }
0x12d: {  	[tilespmem:s22+$0x6580] =	vst.add.f32.msk $0xffff, v9  }
.Ltmp4:
0x12e: {  	[tilespmem:s22+$0x6590] =	vst.add.f32.msk $0xffff, v10;
	(pc) =	sbr.rel @p0 .LBB2_10-.Ltmp4, $4  }
0x12f: {  	[tilespmem:s22+$0x65A0] =	vst.add.f32.msk $0xffff, v11  }
0x130: {  	[tilespmem:s22+$0x65B0] =	vst.add.f32.msk $0xffff, v12  }
0x131: {  	[tilespmem:s22+$0x65C0] =	vst.add.f32.msk $0xffff, v13  }
0x132: {  	s24 =	sadd.s32 $0x400, s24;
	[tilespmem:s22+$0x65D0] =	vst.add.f32.msk $0xffff, v14  }
0x133: {  	[tilespmem:s22+$0x65E0] =	vst.add.f32.msk $0xffff, v0;
	s21 =	sadd.s32 $0x1, s21  }
0x134: {  	[hbm4b:s9+s3] =	stream.linear.scatter [tilespmem:s17], [sflag:$0x4], $0x1900, $0x38;
	[tilespmem:$0x7E00] =	vst v63  }
0x135: {  	p0 =	sne.s32 s21, s10;
	_ =	swait.ge [sflag:s19], $0x1900  }
.Ltmp5:
0x136: {  	[sflag:s19] =	ssyncset.done $0x0;
	(pc) =	sbr.rel @p0 .LBB2_1-.Ltmp5, $4  }
0x137: {  	[sflag:s19] =	ssyncadd.s32 $0xFFFFE700  }
0x138: {  	_ =	swait.ge [sflag:s20], $0x1900  }
0x139: {  	[sflag:s20] =	ssyncset.done $0x0  }
0x13a: {  	[sflag:s20] =	ssyncadd.s32 $0xFFFFE700  }
0x13b: {  	_ =	sfence.sel $0x180000  }
0x13c: {  	[bflag:$0x0] =	sbarrier.arrive $0xFFFF  }
0x13d: {  	p0 =	sne.s32 s0, $0x0;
	_ =	strace $0x90000047  }
0x13e: {  	s0 =	sadd.s32 @!p0 $0x100000, s1;
	[bflag:$0x2] =	sbarrier.arrive $0xFFFF  }
0x13f: {  	[sflag:s0] =	ssyncadd.tile.s32 @!p0 $0x1;
	_ =	shalt  }
.Lfunc_end2:
_tile_overlayer_lowered:
.L_overlay_start_2:
0x140: {  	(tag) =	ssettag $0x2  }
0x141: {  	s0 =	rddreg [dreg:$0x0];
	s2 =	stileid.u32  }
0x142: {  	s1 =	rddreg [dreg:$0x1];
	p0 =	sne.s32 s2, $0x0  }
0x143: {  	s3 =	rddreg [dreg:$0x2];
	[bflag:$0x3] =	sbarrier.arrive $0xFFFF;
	s2 =	simm.s32 @!p0 $0x1C05  }
0x144: {  	[timem:s3], [sflag:s2] =	dma.local @!p0 [hbm:s0], s1  }
0x145: {  	s0 =	simm.s32 @!p0 $0x5  }
0x146: {  	_ =	swait.ge @!p0 [sflag:s0], s1  }
0x147: {  	s1 =	ssub.s32 @!p0 $0x0, s1;
	[sflag:s0] =	ssyncset.done @!p0 $0x0  }
0x148: {  	[sflag:s0] =	ssyncadd.s32 @!p0 s1  }
0x149: {  	[bflag:$0x3] =	sbarrier.arrive $0xFFFF  }
0x14a: {  	_ =	shalt  }

// kernel: sparse-core-data-format-call.cloned.1.call-start
scs
called_computation_lowered:
.L_overlay_start_0:
0x0: {  	s2 =	sld [smem:$0x3FD9]  }
0x1: {  	s3 =	sld [smem:$0x3FFE];
	_ =	sdelay $0x1  }
0x2: {  	s1 =	srdreg.scid  }
0x3: {  	s0 =	sand.u32 $0x1, s1  }
0x4: {  	s18 =	sshll.u32 s0, $0xA;
	s2 =	sadd.s32 s3, s2  }
0x5: {  	s2 =	sadd.s32 s2, s18  }
0x6: {  	[smem:$0x3FC5] =	sst s2  }
0x7: {  	_ = 	snop  }
0x8: {  	s2 =	sld [smem:$0x3FD0];
	(tm) =	ssettm $0x1  }
0x9: {  	s19 =	sld [smem:$0x3FFB];
	_ =	sdelay $0x3  }
0xa: {  	_ =	strace s19  }
0xb: {  	s3 =	sld [smem:$0x3FFC];
	_ =	sdelay $0x3  }
0xc: {  	_ =	strace s3  }
0xd: {  	s3 =	sld [smem:$0x3FFD];
	_ =	sdelay $0x3  }
0xe: {  	_ =	strace s3  }
0xf: {  	_ =	strace $0x8FFFFFFF  }
0x10: {  	s20 =	sld [smem:$0x3FDB];
	_ =	sdelay $0x1  }
0x11: {  	s4 =	simm.s32 $_scs_section_size  }
0x12: {  	s5 =	simm.s32 $_size__tile_overlayer_lowered;
	s6 =	simm.s32 $_tile_overlayer_lowered  }
0x13: {  	s23 =	simm.s32 $0x1BFF;
	s22 =	sshll.u32 s6, $0x1;
	s3 =	sadd.s32 s4, s20  }
0x14: {  	s7 =	simm.s32 $0x0;
	s21 =	sshll.u32 s5, $0x1;
	s5 =	sadd.s32 s22, s3  }
0x15: {  	[timem:s7], [sflag:s23] =	dma.local [hbm:s5], s21  }
0x16: {  	_ =	swait.ge [sflag:s23], s21  }
0x17: {  	s4 =	ssub.s32 $0x0, s21;
	[sflag:s23] =	ssyncset.done $0x0  }
0x18: {  	[sflag:s23] =	ssyncadd.s32 s4;
	_ =	sdelay $0x1  }
0x19: {  	s24 =	simm.s32 $0x1B8B  }
0x1a: {  	_ =	swait.ge [sflag:s24], $0x1  }
0x1b: {  	[sflag:s24] =	ssyncset.done $0x0  }
0x1c: {  	s26 =	simm.s32 $0x1B8E;
	s25 =	sld [smem:$0x3FFE];
	[sflag:s24] =	ssyncadd.s32 $0xFFFFFFFF  }
0x1d: {  	s27 =	simm.s32 $execute0_lowered;
	[smem:$0x3FD2] =	sst s26  }
0x1e: {  	s5 =	sshll.u32 s27, $0x1;
	_ =	strace $0x80000049;
	[dreg:$0x1] =	wrdreg $0xFFFFFFFF  }
0x1f: {  	s28 =	simm.s32 $_size_execute0_lowered;
	s3 =	sadd.s32 s3, s5;
	[dreg:$0x0] =	wrdreg $0x0  }
0x20: {  	s5 =	sshll.u32 s28, $0x1;
	[dreg:$0x2] =	wrdreg s3  }
0x21: {  	[dreg:$0x3] =	wrdreg s5  }
0x22: {  	[dreg:$0x4] =	wrdreg $0xC0  }
0x23: {  	_ =	task [dreg:s7], $0x5FFFF  }
0x24: {  	[dreg:$0x1] =	wrdreg $0xFFFFFFFF  }
0x25: {  	[dreg:$0x0] =	wrdreg $0x60  }
0x26: {  	[dreg:$0x2] =	wrdreg s25  }
0x27: {  	[dreg:$0x3] =	wrdreg s2  }
0x28: {  	[dreg:$0x4] =	wrdreg $0x9  }
0x29: {  	_ =	task.clear_ibuf [dreg:s7], $0x5FFFF;
	_ =	strace $0x90000049  }
0x2a: {  	s29 =	simm.s32 $0x9;
	_ =	strace $0x8000004B  }
0x2b: {  	_ =	swait.ge [sflag:s29], $0x1  }
0x2c: {  	[sflag:s29] =	ssyncadd.s32 $0xFFFFFFFF  }
0x2d: {  	_ =	strace $0x9000004B  }
0x2e: {  	_ =	sfence  }
0x2f: {  	s30 =	sld [smem:$0x0];
	_ =	sdelay $0x2  }
0x30: {  	s31 =	sshll.u32 s1, $0xD;
	s1 =	sshrl.u32 s1, $0x2  }
0x31: {  	s3 =	sand.u32 $0x4000, s31;
	s1 =	sadd.s32 s1, s30  }
0x32: {  	s0 =	sor.u32 s3, s0;
	s1 =	sshll.u32 s1, $0x11  }
0x33: {  	s0 =	sor.u32 s1, s0  }
0x34: {  	s0 =	sadd.s32 $0x8F2B, s0  }
0x35: {  	[sflag:s0] =	ssyncadd.remote.s32 $0x1  }
0x36: {  	_ =	sfence.sel $0xFFFF  }
0x37: {  	[dreg:$0x0] =	wrdreg $0xFFFFFFFF;
	(pc) =	sbr.abs _section_cstart, $3  }
0x38: {  	[dreg:$0x1] =	wrdreg $0xFFFFFFFF  }
0x39: {  	_ =	task.clear_ibuf [dreg:s7], $0x2FFFF;
	_ =	strace $0x9FFFFFFF  }
0x3a: {  	(tm) =	ssettm $0x7FFFFFFF  }
0x3b: {  	_ =	shalt  }
tec
execute0_lowered:
.L_overlay_start_1:
0x0: {  	(tag) =	ssettag $0x1  }
0x1: {  	s0 =	stileid.u32;
	s6 =	rddreg [dreg:$0x0]  }
0x2: {  	s2 =	rddreg [dreg:$0x1];
	s5 =	srdreg.scid  }
0x3: {  	s31 =	simm.s32 $0x2;
	s13 =	simm.s32 $0x0;
	s1 =	sshll.u32 s0, $0x7  }
0x4: {  	s14 =	simm.s32 $0x0;
	s12 =	simm.s32 $0x0;
	s3 =	sand.u32 $0x380, s1  }
0x5: {  	s5 =	sshll.u32 s5, $0x4;
	s6 =	sadd.s32 $0xC00, s6;
	s4 =	ssub.s32 $0x400, s3  }
0x6: {  	s1 =	rddreg [dreg:$0x2];
	_ =	strace $0x8000004A;
	s7 =	sand.u32 $0x380, s4  }
0x7: {  	s5 =	sand.u32 $0x10, s5;
	p0 =	sne.s32 s7, $0x0;
	s7 =	simm.s32 $0x1  }
.Ltmp0:
0x8: {  	s8 =	sshrl.u32 s4, $0xA;
	s7 =	simm.s32 @!p0 $0x0;
	(pc) =	sbr.rel .LBB1_1-.Ltmp0, $4  }
0x9: {  	s9 =	sor.u32 s0, s5;
	s4 =	simm.s32 $0x1;
	s30 =	sadd.s32 s7, s8  }
0xa: {  	s11 =	smov.u32 s3;
	[sflag:s4] =	ssyncpa.u1 $0x0;
	s5 =	smul.u32 $0x32, s30  }
0xb: {  	[sflag:s31] =	ssyncpa.u1 $0x0;
	p0 =	por $0x0, $0x0;
	s7 =	sshrl.u32 s9, $0x3  }
0xc: {  	s9 =	simm.s32 $0x2000;
	s10 =	smov.u32 s7;
	s8 =	sor.u32 $0x1, s5  }
.LBB1_4:
0xd: {  	s17 =	sand.u32 $0x1F80, s14;
	s13 =	sshll.u32 s13, $0xD  }
0xe: {  	[tilespmem:s16+$0x810 ss:$0x81] =	vst.msk $0xffff, v2;
	s18 =	sshrl.u32 s14, $0x3;
	s31 =	sand.u32 $0x7, s14;
	s17 =	sadd.s32 s2, s17  }
0xf: {  	[tilespmem:s16+$0x1020 ss:$0x81] =	vst.msk $0xffff, v0;
	s18 =	sand.u32 $0xF, s18;
	s14 =	sshll.u32 s31, $0x12;
	s13 =	sadd.s32 s13, s17  }
0x10: {  	[tilespmem:s16+$0x0 ss:$0x81] =	vst.msk $0xffff, v1;
	s14 =	sor.u32 $0x400, s14;
	s13 =	sadd.s32 s18, s13  }
0x11: {  	[hbm4b:s13+s14] =	stream.strided.scatter [tilespmem:s15], [sflag:$0x2], $0x2000, s9, s14, $0x20;
	[tilespmem:$0x8080] =	vst v63  }
.LBB1_5:
0x12: {  	s15 =	sadd.s32 $0x4, s10  }
0x13: {  	s13 =	sadd.s32 $0x400, s11;
	s17 =	smov.u32 s11;
	p2 =	sgt.s32 s15, $0xC7  }
0x14: {  	s17 =	smov.u32 @p2 s13  }
0x15: {  	s15 =	smov.u32 @p2 s7;
	p2 =	sgt.s32 s17, $0x3FF  }
0x16: {  	s17 =	smov.u32 @p2 s3;
	p2 =	sne.s32 s12, s8  }
.Ltmp1:
0x17: {  	p1 =	slt.u32 s12, $0x2;
	(pc) =	sbr.rel @!p2 .LBB1_6-.Ltmp1, $4  }
0x18: {  	s16 =	simm.s32 @!p1 $0x2  }
0x19: {  	s14 =	smov.u32 s11;
	p0 =	por !p0, !p0;
	_ =	swait.ge @!p1 [sflag:s16], $0x2000  }
0x1a: {  	s13 =	smov.u32 s10;
	[sflag:s16] =	ssyncset.done @!p1 $0x0;
	s10 =	smov.u32 s15  }
0x1b: {  	s12 =	sadd.s32 $0x1, s12;
	[sflag:s16] =	ssyncadd.s32 @!p1 $0xFFFFE000;
	s11 =	smov.u32 s17  }
.LBB1_1:
0x1c: {  	p1 =	sge.u32 s12, s5  }
0x1d: {  	s15 =	sand.u32 @!p1 $0x1FFFFFF, s10  }
0x1e: {  	s16 =	smulhi.u32 @!p1 $0x147AE15, s15;
	_ =	sdelay $0x1  }
0x1f: {  	s16 =	smul.u32 @!p1 $0xC8, s16  }
0x20: {  	s17 =	sxor.u32 @!p1 $0xFFFFFFFF, s12;
	s18 =	smul.u32 @!p1 $0xC80, s11  }
0x21: {  	s31 =	sadd.s32 $0xFFFFFFFF, s12;
	s17 =	sshll.u32 @!p1 s17, $0xD;
	s15 =	ssub.s32 @!p1 s15, s16  }
0x22: {  	s16 =	sand.u32 @!p1 $0x2000, s17;
	s17 =	sadd.s32 @!p1 s6, s18;
	s15 =	sshll.u32 @!p1 s15, $0x4  }
0x23: {  	s18 =	simm.s32 @!p1 $0x6400;
	s15 =	sadd.s32 @!p1 s15, s17;
	s17 =	simm.s32 @!p1 $0x40  }
0x24: {  	[tilespmem:s16], [sflag:$0x1] =	stream.strided.gather @!p1 [hbm4b:s15+s17], $0x2000, s18, s17, $0x38;
	[tilespmem:$0x8080] =	vst v63  }
0x25: {  	p1 =	sge.u32 s31, s5  }
.Ltmp2:
0x26: {  	_ = 	snop;
	(pc) =	sbr.rel @p1 .LBB1_5-.Ltmp2, $1  }
0x27: {  	_ =	sdelay $0x3  }
0x28: {  	s15 =	simm.s32 $0x1  }
0x29: {  	_ =	swait.ge [sflag:s4], $0x2000;
	s15 =	simm.s32 @!p0 $0x0  }
0x2a: {  	[sflag:s4] =	ssyncset.done $0x0;
	s16 =	sshll.u32 s15, $0xD  }
0x2b: {  	[sflag:s4] =	ssyncadd.s32 $0xFFFFE000;
	s19 =	sor.u32 $0x20, s16  }
0x2c: {  	s15 =	smul.u32 $0x8100, s15;
	v3 =	vld [tilespmem:s19+$0x10]  }
0x2d: {  	s30 =	sand.u32 $0x1, s12;
	v2 =	vld [tilespmem:s19+$0xFFFFFFF0]  }
0x2e: {  	s16 =	smul.u32 $0x8100, s30;
	s15 =	sshrl.u32 s15, $0x2;
	v0 =	vld [tilespmem:s19+$0x0]  }
0x2f: {  	v1 =	vld [tilespmem:s19+$0xFFFFFFE0];
	s17 =	sor.u32 $0x4000, s15  }
0x30: {  	s31 =	sshrl.u32 s16, $0x2;
	s16 =	sadd.s32 $0x0, s17  }
0x31: {  	s18 =	simm.s32 $0x4;
	s19 =	sadd.s32 $0x40, s19;
	s15 =	sor.u32 $0x4000, s31;
	[tilespmem:s16+$0x1830 ss:$0x81] =	vst.msk $0xffff, v3  }
.LBB1_3:
0x32: {  	v3 =	vld [tilespmem:s19+$0x10];
	p1 =	sne.s32 s18, $0x1FC;
	[tilespmem:s16+$0x810 ss:$0x81] =	vst.msk $0xffff, v2;
	s20 =	smov.u32 s18;
	s18 =	sadd.s32 $0x4, s18  }
.Ltmp3:
0x33: {  	v2 =	vld [tilespmem:s19+$0xFFFFFFF0];
	[tilespmem:s16+$0x1020 ss:$0x81] =	vst.msk $0xffff, v0;
	(pc) =	sbr.rel @p1 .LBB1_3-.Ltmp3, $4  }
0x34: {  	v0 =	vld [tilespmem:s19+$0x0];
	[tilespmem:s16+$0x0 ss:$0x81] =	vst.msk $0xffff, v1  }
0x35: {  	s16 =	sshra.s32 s20, $0x2;
	v1 =	vld [tilespmem:s19+$0xFFFFFFE0]  }
0x36: {  	s16 =	sadd.s32 s16, s17  }
0x37: {  	s19 =	sadd.s32 $0x40, s19;
	[tilespmem:s16+$0x1830 ss:$0x81] =	vst.msk $0xffff, v3  }
.Ltmp4:
0x38: {  	_ = 	snop;
	(pc) =	sbr.rel .LBB1_4-.Ltmp4, $1  }
0x39: {  	_ =	sdelay $0x3  }
.LBB1_6:
0x3a: {  	_ =	sfence.sel $0x180000  }
0x3b: {  	s2 =	simm.s32 $0x1;
	[bflag:$0x0] =	sbarrier.arrive $0xFFFF  }
0x3c: {  	s31 =	simm.s32 $0x2;
	[sflag:s2] =	ssyncpa.u1 $0x1  }
0x3d: {  	[sflag:s31] =	ssyncpa.u1 $0x1  }
0x3e: {  	p0 =	sne.s32 s0, $0x0;
	_ =	strace $0x9000004A  }
0x3f: {  	s0 =	sadd.s32 @!p0 $0x100000, s1;
	[bflag:$0x2] =	sbarrier.arrive $0xFFFF  }
0x40: {  	[sflag:s0] =	ssyncadd.tile.s32 @!p0 $0x1;
	_ =	shalt  }
.Lfunc_end1:
_tile_overlayer_lowered:
.L_overlay_start_2:
0x41: {  	(tag) =	ssettag $0x2  }
0x42: {  	s0 =	rddreg [dreg:$0x0];
	s2 =	stileid.u32  }
0x43: {  	s1 =	rddreg [dreg:$0x1];
	p0 =	sne.s32 s2, $0x0  }
0x44: {  	s3 =	rddreg [dreg:$0x2];
	[bflag:$0x3] =	sbarrier.arrive $0xFFFF;
	s2 =	simm.s32 @!p0 $0x1C01  }
0x45: {  	[timem:s3], [sflag:s2] =	dma.local @!p0 [hbm:s0], s1  }
0x46: {  	s0 =	simm.s32 @!p0 $0x1  }
0x47: {  	_ =	swait.ge @!p0 [sflag:s0], s1  }
0x48: {  	s1 =	ssub.s32 @!p0 $0x0, s1;
	[sflag:s0] =	ssyncset.done @!p0 $0x0  }
0x49: {  	[sflag:s0] =	ssyncadd.s32 @!p0 s1  }
0x4a: {  	[bflag:$0x3] =	sbarrier.arrive $0xFFFF  }
0x4b: {  	_ =	shalt  }

</sc_bundles>
